<compile_context>
chip_gen: v7x
topology: tpu7x:2x2x1
jax: 0.10.2.dev20260603
libtpu: 0.0.44.dev20260713+nightly
codegen_flags: <defaults>
</compile_context>

<pallas_src>
import functools

import jax
import jax.numpy as jnp
from jax import lax
from jax.experimental import pallas as pl
from jax.experimental.pallas import tpu as pltpu
from jax.experimental.pallas import tpu_sc as plsc

NC = 2
NS = 16
L = 16

P_ROWS = 160
PIECES = 4


def _sc_main(x, edge_index, n, d, n_pad, e):
    nw = NC * NS
    c = ((e + nw * 128 - 1) // (nw * 128)) * 128
    groups = c // L
    U = 8
    assert groups % U == 0
    blocks_n = groups // U
    n_per_s = n_pad // NS
    assert n_per_s == P_ROWS * PIECES

    mesh = plsc.VectorSubcoreMesh(
        core_axis_name="c", subcore_axis_name="s", num_cores=NC, num_subcores=NS
    )

    @functools.partial(
        pl.kernel,
        mesh=mesh,
        compiler_params=pltpu.CompilerParams(needs_layout_passes=False),
        out_type=(
            jax.ShapeDtypeStruct((NC, n_pad), jnp.float32),
            jax.ShapeDtypeStruct((n,), jnp.float32),
        ),
        scratch_types=[
            pltpu.VMEM((2, P_ROWS, d), jnp.float32),
            pltpu.VMEM((n_per_s,), jnp.float32),
            pltpu.VMEM((n_pad,), jnp.float32),
            pltpu.VMEM((n_pad,), jnp.float32),
            pltpu.VMEM((2, c), jnp.int32),
            pltpu.VMEM((NS, n_per_s), jnp.float32),
            pltpu.VMEM((n_per_s,), jnp.float32),
            pltpu.VMEM_SHARED((n_pad,), jnp.float32),
            pltpu.VMEM_SHARED((NS, n_pad), jnp.float32),
            pltpu.SMEM((blocks_n + 1,), jnp.int32),
            pltpu.SemaphoreType.DMA,
            pltpu.SemaphoreType.DMA,
            pltpu.SemaphoreType.DMA,
        ],
    )
    def k(x_hbm, edge_hbm, out_hbm, xp_hbm, xbuf, xps_v, xp_v, agg_v, sd_v,
          red_v, res_v, sh_xp, sh_agg, wl_s, sem_e, semA, semB):
        cid = lax.axis_index("c")
        sid = lax.axis_index("s")
        wid = sid * NC + cid
        ebase = jnp.minimum(wid * c, e - c)
        row0 = jnp.minimum(sid * n_per_s, n - n_per_s)

        cp_e = pltpu.async_copy(edge_hbm.at[:, pl.ds(ebase, c)], sd_v, sem_e)

        sems = (semA, semB)
        iota = lax.iota(jnp.int32, L)
        gdn = lax.GatherDimensionNumbers(
            offset_dims=(), collapsed_slice_dims=(0,), start_index_map=(0,))
        perms = [((iota ^ (1 << j))[:, None]) for j in range(4)]

        def issue(p):
            return pltpu.async_copy(
                x_hbm.at[pl.ds(row0 + p * P_ROWS, P_ROWS), :],
                xbuf.at[p % 2], sems[p % 2])

        cps = {0: issue(0)}
        for p in range(PIECES):
            if p + 1 < PIECES:
                cps[p + 1] = issue(p + 1)
            cps[p].wait()
            buf = xbuf.at[p % 2]

            def prod_group(g, carry, buf=buf, p=p):
                out = jnp.zeros((L,), jnp.float32)
                base = g * L
                for r in range(L):
                    row = base + r
                    v = buf[row, pl.ds(0, L)]
                    for j in range(1, d // L):
                        v = v * buf[row, pl.ds(j * L, L)]
                    for pj in perms:
                        v = v * lax.gather(
                            v, pj, gdn, slice_sizes=(1,),
                            mode=lax.GatherScatterMode.PROMISE_IN_BOUNDS)
                    out = jnp.where(iota == r, v, out)
                xps_v[pl.ds(p * P_ROWS + base, L)] = out
                return carry

            del prod_group

        pltpu.sync_copy(xps_v, sh_xp.at[pl.ds(row0, n_per_s)])
        plsc.subcore_barrier()
        pltpu.sync_copy(sh_xp, xp_v)
        pltpu.sync_copy(sh_xp, agg_v)

        @pl.when(cid == 0)
        def _():
            pltpu.sync_copy(xps_v, xp_hbm.at[pl.ds(row0, n_per_s)])

        cp_e.wait()

        def block(b, cnt):
            off0 = b * (U * L)
            dsts, vals = [], []
            for u in range(U):
                s16 = sd_v[0, pl.ds(off0 + u * L, L)]
                d16 = sd_v[1, pl.ds(off0 + u * L, L)]
                dsts.append(d16)
                vals.append(plsc.load_gather(xp_v, [s16]))
            for u in range(U):
                cur = plsc.load_gather(agg_v, [dsts[u]])
                plsc.store_scatter(agg_v, [dsts[u]],
                                   jnp.maximum(cur, vals[u]),
                                   mask=vals[u] > cur)
            lost = None
            for u in range(U):
                cur2 = plsc.load_gather(agg_v, [dsts[u]])
                l = vals[u] > cur2
                lost = l if lost is None else jnp.logical_or(lost, l)
            any_lost = jnp.any(lost)

            @pl.when(any_lost)
            def _():
                wl_s[cnt] = b

            return cnt + any_lost.astype(jnp.int32)

        cnt = jnp.int32(0)

        def fix(kk, carry):
            b = wl_s[kk]
            off0 = b * (U * L)
            for u in range(U):
                s16 = sd_v[0, pl.ds(off0 + u * L, L)]
                d16 = sd_v[1, pl.ds(off0 + u * L, L)]
                val = plsc.load_gather(xp_v, [s16])

                def body(_, d16=d16, val=val):
                    cur = plsc.load_gather(agg_v, [d16])
                    plsc.store_scatter(agg_v, [d16], jnp.maximum(cur, val),
                                       mask=val > cur)
                    cur2 = plsc.load_gather(agg_v, [d16])
                    return jnp.any(val > cur2)

                lax.while_loop(lambda pend: pend, body, jnp.bool_(True))
            return carry

        lax.fori_loop(0, cnt, fix, 0)

        pltpu.sync_copy(agg_v, sh_agg.at[sid])
        plsc.subcore_barrier()
        pltpu.sync_copy(sh_agg.at[:, pl.ds(sid * n_per_s, n_per_s)], red_v)

        def red(v, carry):
            m = red_v[0, pl.ds(v * L, L)]
            for j in range(1, NS):
                m = jnp.maximum(m, red_v[j, pl.ds(v * L, L)])
            res_v[pl.ds(v * L, L)] = m
            return carry

        lax.fori_loop(0, n_per_s // L, red, 0)
        pltpu.sync_copy(res_v, out_hbm.at[cid, pl.ds(sid * n_per_s, n_per_s)])

    return k(x, edge_index)


def _combine_body(p_ref, xp_ref, w_ref, out_ref):
    n = xp_ref.shape[0]
    agg = jnp.max(p_ref[...], axis=0)[:n]
    out_ref[...] = xp_ref[...] * w_ref[0, 0] + agg * w_ref[0, 1]


def _combine(partial, xp, weights, n):
    n_pad = partial.shape[1]
    return pl.pallas_call(
        _combine_body,
        in_specs=[
            pl.BlockSpec((NC, n_pad), lambda: (0, 0)),
            pl.BlockSpec((n,), lambda: (0,)),
            pl.BlockSpec(memory_space=pltpu.SMEM),
        ],
        out_specs=pl.BlockSpec((n,), lambda: (0,)),
        out_shape=jax.ShapeDtypeStruct((n,), jnp.float32),
    )(partial, xp, weights)


def kernel(x, edge_index, weights):
    n, d = x.shape
    e = edge_index.shape[1]
    n_pad = 10240

    partial, xp = _sc_main(x, edge_index, n, d, n_pad, e)
    z = _combine(partial, xp, weights, n)
    return z.reshape(n, 1)

# --- scband reference (transcript-rebuilt; emitter-appended) ---
"""Pipeline reference for scband-max-weight-gnn-23476291240206 (READ-ONLY COPY).

The authoritative reference and input builder live on the scoring server;
editing this copy changes nothing except your own understanding.
"""

import jax, jax.numpy as jnp
import numpy as np

N = 10000
E = 320000
D = 128

def setup_inputs(seed: int = 0) -> dict:
    key = jax.random.key(seed)
    k1, k2 = jax.random.split(key)
    x = jax.random.normal(k1, (N, D), dtype=jnp.float32)
    edge_index = jax.random.randint(k2, (2, E), 0, N, dtype=jnp.int32)
    weights = jnp.array([[1.0, -1.0]], dtype=jnp.float32)  # nn.Parameter init_weights, shape [1, 2]
    return {"x": x, "edge_index": edge_index, "weights": weights}


def reference(x, edge_index, weights):
    n = x.shape[0]
    # x = x.prod(dim=1, keepdim=True)
    xp = jnp.prod(x, axis=1, keepdims=True)  # [N, 1]
    # add_self_loops(edge_index)
    loops = jnp.arange(n, dtype=edge_index.dtype)
    src = jnp.concatenate([edge_index[0], loops])  # source_to_target flow: messages from src
    dst = jnp.concatenate([edge_index[1], loops])
    # propagate with aggr='max': gather messages from src, max-reduce at dst
    msgs = jnp.take(xp, src, axis=0)  # [E+N, 1]
    agg = jax.ops.segment_max(msgs, dst, num_segments=n)  # [N, 1]; self-loops guarantee every segment non-empty
    # z = cat([x, agg], dim=1) @ weights.T
    z = jnp.concatenate([xp, agg], axis=1) @ weights.T  # [N, 1]
    return z

if __name__ == "__main__":
    import jax
    _d = setup_inputs()
    print(jax.jit(kernel)(*tuple(_d.values())))

</pallas_src>

<mosaic_0001>
#map = affine_map<(d0, d1) -> (0, 0)>
#map1 = affine_map<(d0, d1) -> (0)>
module attributes {stable_mosaic.version = 14 : i64} {
  func.func @k(%arg0: i32, %arg1: i32, %arg2: memref<10000x128xf32, #tpu.memory_space<hbm>>, %arg3: memref<2x320000xi32, #tpu.memory_space<hbm>>, %arg4: memref<2x10240xf32, #tpu.memory_space<hbm>>, %arg5: memref<10000xf32, #tpu.memory_space<hbm>>, %arg6: memref<2x160x128xf32, #tpu.memory_space<vmem>>, %arg7: memref<640xf32, #tpu.memory_space<vmem>>, %arg8: memref<10240xf32, #tpu.memory_space<vmem>>, %arg9: memref<10240xf32, #tpu.memory_space<vmem>>, %arg10: memref<2x10112xi32, #tpu.memory_space<vmem>>, %arg11: memref<16x640xf32, #tpu.memory_space<vmem>>, %arg12: memref<640xf32, #tpu.memory_space<vmem>>, %arg13: memref<10240xf32, #tpu.memory_space<vmem_shared>>, %arg14: memref<16x10240xf32, #tpu.memory_space<vmem_shared>>, %arg15: memref<80xi32, #tpu.memory_space<smem>>, %arg16: memref<!tpu.dma_semaphore, #tpu.memory_space<semaphore_mem>>, %arg17: memref<!tpu.dma_semaphore, #tpu.memory_space<semaphore_mem>>, %arg18: memref<!tpu.dma_semaphore, #tpu.memory_space<semaphore_mem>>) attributes {dimension_semantics = [#tpu.dimension_semantics<core_parallel>, #tpu.dimension_semantics<subcore_parallel>], iteration_bounds = array<i64: 2, 16>, scalar_prefetch = 0 : i64, scratch_operands = 13 : i64, tpu.core_type = #tpu.core_type<sc_vector_subcore>, window_params = [{transform_indices = #map}, {transform_indices = #map}, {transform_indices = #map}, {transform_indices = #map1}]} {
    %mul3A = arith.constant 2 : i32
    %mul3A_0 = arith.muli %arg1, %mul3A : i32
    %add3A = arith.addi %mul3A_0, %arg0 : i32
    %mul3A_1 = arith.constant 10112 : i32
    %mul3A_2 = arith.muli %add3A, %mul3A_1 : i32
    %min3A = arith.constant 309888 : i32
    %min3A_3 = arith.minsi %mul3A_2, %min3A : i32
    %mul3A_4 = arith.constant 640 : i32
    %mul3A_5 = arith.muli %arg1, %mul3A_4 : i32
    %min3A_6 = arith.constant 9360 : i32
    %min3A_7 = arith.minsi %mul3A_5, %min3A_6 : i32
    %dma_start3A = arith.constant 0 : i32
    %dma_start3A_8 = tpu.memref_slice %arg3[%dma_start3A, %min3A_3] : memref<2x320000xi32, #tpu.memory_space<hbm>> -> memref<2x10112xi32, #tpu.memory_space<hbm>>
    %dma_start3A_9 = arith.constant 0 : i32
    %dma_start3A_10 = tpu.memref_slice %arg3[%dma_start3A_9, %min3A_3] : memref<2x320000xi32, #tpu.memory_space<hbm>> -> memref<2x10112xi32, #tpu.memory_space<hbm>>
    tpu.enqueue_dma source(%dma_start3A_10 : memref<2x10112xi32, #tpu.memory_space<hbm>>) target(%arg10 : memref<2x10112xi32, #tpu.memory_space<vmem>>) target_semaphore(%arg16 : memref<!tpu.dma_semaphore, #tpu.memory_space<semaphore_mem>>)
    %iota3A = tpu.iota {dimensions = array<i32: 0>} : vector<16xi32>
    %xor3A = arith.constant 1 : i32
    %xor3A_11 = vector.broadcast %xor3A : i32 to vector<16xi32>
    %xor3A_12 = arith.xori %iota3A, %xor3A_11 : vector<16xi32>
    %broadcast_in_dim3A = vector.shape_cast %xor3A_12 : vector<16xi32> to vector<16x1xi32>
    %xor3A_13 = arith.constant 2 : i32
    %xor3A_14 = vector.broadcast %xor3A_13 : i32 to vector<16xi32>
    %xor3A_15 = arith.xori %iota3A, %xor3A_14 : vector<16xi32>
    %broadcast_in_dim3A_16 = vector.shape_cast %xor3A_15 : vector<16xi32> to vector<16x1xi32>
    %xor3A_17 = arith.constant 4 : i32
    %xor3A_18 = vector.broadcast %xor3A_17 : i32 to vector<16xi32>
    %xor3A_19 = arith.xori %iota3A, %xor3A_18 : vector<16xi32>
    %broadcast_in_dim3A_20 = vector.shape_cast %xor3A_19 : vector<16xi32> to vector<16x1xi32>
    %xor3A_21 = arith.constant 8 : i32
    %xor3A_22 = vector.broadcast %xor3A_21 : i32 to vector<16xi32>
    %xor3A_23 = arith.xori %iota3A, %xor3A_22 : vector<16xi32>
    %broadcast_in_dim3A_24 = vector.shape_cast %xor3A_23 : vector<16xi32> to vector<16x1xi32>
    %add3A_25 = arith.constant 0 : i32
    %add3A_26 = arith.addi %min3A_7, %add3A_25 : i32
    %dma_start3A_27 = arith.constant 0 : i32
    %dma_start3A_28 = arith.constant 0 : i32
    %dma_start3A_29 = arith.constant 0 : i32
    %dma_start3A_30 = tpu.memref_slice %arg6[%dma_start3A_27, %dma_start3A_28, %dma_start3A_29] : memref<2x160x128xf32, #tpu.memory_space<vmem>> -> memref<1x160x128xf32, #tpu.memory_space<vmem>>
    %dma_start3A_31 = tpu.memref_squeeze %dma_start3A_30 : memref<1x160x128xf32, #tpu.memory_space<vmem>> -> memref<160x128xf32, #tpu.memory_space<vmem>>
    %dma_start3A_32 = arith.constant 0 : i32
    %dma_start3A_33 = tpu.memref_slice %arg2[%add3A_26, %dma_start3A_32] : memref<10000x128xf32, #tpu.memory_space<hbm>> -> memref<160x128xf32, #tpu.memory_space<hbm>>
    %dma_start3A_34 = arith.constant 0 : i32
    %dma_start3A_35 = arith.constant 0 : i32
    %dma_start3A_36 = tpu.memref_slice %arg6[%dma_start3A_27, %dma_start3A_34, %dma_start3A_35] : memref<2x160x128xf32, #tpu.memory_space<vmem>> -> memref<1x160x128xf32, #tpu.memory_space<vmem>>
    %dma_start3A_37 = tpu.memref_squeeze %dma_start3A_36 : memref<1x160x128xf32, #tpu.memory_space<vmem>> -> memref<160x128xf32, #tpu.memory_space<vmem>>
    %dma_start3A_38 = arith.constant 0 : i32
    %dma_start3A_39 = tpu.memref_slice %arg2[%add3A_26, %dma_start3A_38] : memref<10000x128xf32, #tpu.memory_space<hbm>> -> memref<160x128xf32, #tpu.memory_space<hbm>>
    tpu.enqueue_dma source(%dma_start3A_39 : memref<160x128xf32, #tpu.memory_space<hbm>>) target(%dma_start3A_37 : memref<160x128xf32, #tpu.memory_space<vmem>>) target_semaphore(%arg17 : memref<!tpu.dma_semaphore, #tpu.memory_space<semaphore_mem>>)
    %add3A_40 = arith.constant 160 : i32
    %add3A_41 = arith.addi %min3A_7, %add3A_40 : i32
    %dma_start3A_42 = arith.constant 1 : i32
    %dma_start3A_43 = arith.constant 0 : i32
    %dma_start3A_44 = arith.constant 0 : i32
    %dma_start3A_45 = tpu.memref_slice %arg6[%dma_start3A_42, %dma_start3A_43, %dma_start3A_44] : memref<2x160x128xf32, #tpu.memory_space<vmem>> -> memref<1x160x128xf32, #tpu.memory_space<vmem>>
    %dma_start3A_46 = tpu.memref_squeeze %dma_start3A_45 : memref<1x160x128xf32, #tpu.memory_space<vmem>> -> memref<160x128xf32, #tpu.memory_space<vmem>>
    %dma_start3A_47 = arith.constant 0 : i32
    %dma_start3A_48 = tpu.memref_slice %arg2[%add3A_41, %dma_start3A_47] : memref<10000x128xf32, #tpu.memory_space<hbm>> -> memref<160x128xf32, #tpu.memory_space<hbm>>
    %dma_start3A_49 = arith.constant 0 : i32
    %dma_start3A_50 = arith.constant 0 : i32
    %dma_start3A_51 = tpu.memref_slice %arg6[%dma_start3A_42, %dma_start3A_49, %dma_start3A_50] : memref<2x160x128xf32, #tpu.memory_space<vmem>> -> memref<1x160x128xf32, #tpu.memory_space<vmem>>
    %dma_start3A_52 = tpu.memref_squeeze %dma_start3A_51 : memref<1x160x128xf32, #tpu.memory_space<vmem>> -> memref<160x128xf32, #tpu.memory_space<vmem>>
    %dma_start3A_53 = arith.constant 0 : i32
    %dma_start3A_54 = tpu.memref_slice %arg2[%add3A_41, %dma_start3A_53] : memref<10000x128xf32, #tpu.memory_space<hbm>> -> memref<160x128xf32, #tpu.memory_space<hbm>>
    tpu.enqueue_dma source(%dma_start3A_54 : memref<160x128xf32, #tpu.memory_space<hbm>>) target(%dma_start3A_52 : memref<160x128xf32, #tpu.memory_space<vmem>>) target_semaphore(%arg18 : memref<!tpu.dma_semaphore, #tpu.memory_space<semaphore_mem>>)
    %dma_wait3A = arith.constant 0 : i32
    %dma_wait3A_55 = arith.constant 0 : i32
    %dma_wait3A_56 = arith.constant 0 : i32
    %dma_wait3A_57 = tpu.memref_slice %arg6[%dma_wait3A, %dma_wait3A_55, %dma_wait3A_56] : memref<2x160x128xf32, #tpu.memory_space<vmem>> -> memref<1x160x128xf32, #tpu.memory_space<vmem>>
    %dma_wait3A_58 = tpu.memref_squeeze %dma_wait3A_57 : memref<1x160x128xf32, #tpu.memory_space<vmem>> -> memref<160x128xf32, #tpu.memory_space<vmem>>
    %dma_wait3A_59 = arith.constant 0 : i32
    %dma_wait3A_60 = tpu.memref_slice %arg2[%add3A_26, %dma_wait3A_59] : memref<10000x128xf32, #tpu.memory_space<hbm>> -> memref<160x128xf32, #tpu.memory_space<hbm>>
    %dma_wait3A_61 = arith.constant 0 : i32
    %dma_wait3A_62 = arith.constant 0 : i32
    %dma_wait3A_63 = tpu.memref_slice %arg6[%dma_wait3A, %dma_wait3A_61, %dma_wait3A_62] : memref<2x160x128xf32, #tpu.memory_space<vmem>> -> memref<1x160x128xf32, #tpu.memory_space<vmem>>
    %dma_wait3A_64 = tpu.memref_squeeze %dma_wait3A_63 : memref<1x160x128xf32, #tpu.memory_space<vmem>> -> memref<160x128xf32, #tpu.memory_space<vmem>>
    %dma_wait3A_65 = arith.constant 0 : i32
    %dma_wait3A_66 = tpu.memref_slice %arg2[%add3A_26, %dma_wait3A_65] : memref<10000x128xf32, #tpu.memory_space<hbm>> -> memref<160x128xf32, #tpu.memory_space<hbm>>
    tpu.wait_dma2 semaphore(%arg17 : memref<!tpu.dma_semaphore, #tpu.memory_space<semaphore_mem>>) src(%dma_wait3A_66 : memref<160x128xf32, #tpu.memory_space<hbm>>) dst(%dma_wait3A_64 : memref<160x128xf32, #tpu.memory_space<vmem>>)
    %add3A_67 = arith.constant 320 : i32
    %add3A_68 = arith.addi %min3A_7, %add3A_67 : i32
    %dma_start3A_69 = arith.constant 0 : i32
    %dma_start3A_70 = arith.constant 0 : i32
    %dma_start3A_71 = arith.constant 0 : i32
    %dma_start3A_72 = tpu.memref_slice %arg6[%dma_start3A_69, %dma_start3A_70, %dma_start3A_71] : memref<2x160x128xf32, #tpu.memory_space<vmem>> -> memref<1x160x128xf32, #tpu.memory_space<vmem>>
    %dma_start3A_73 = tpu.memref_squeeze %dma_start3A_72 : memref<1x160x128xf32, #tpu.memory_space<vmem>> -> memref<160x128xf32, #tpu.memory_space<vmem>>
    %dma_start3A_74 = arith.constant 0 : i32
    %dma_start3A_75 = tpu.memref_slice %arg2[%add3A_68, %dma_start3A_74] : memref<10000x128xf32, #tpu.memory_space<hbm>> -> memref<160x128xf32, #tpu.memory_space<hbm>>
    %dma_start3A_76 = arith.constant 0 : i32
    %dma_start3A_77 = arith.constant 0 : i32
    %dma_start3A_78 = tpu.memref_slice %arg6[%dma_start3A_69, %dma_start3A_76, %dma_start3A_77] : memref<2x160x128xf32, #tpu.memory_space<vmem>> -> memref<1x160x128xf32, #tpu.memory_space<vmem>>
    %dma_start3A_79 = tpu.memref_squeeze %dma_start3A_78 : memref<1x160x128xf32, #tpu.memory_space<vmem>> -> memref<160x128xf32, #tpu.memory_space<vmem>>
    %dma_start3A_80 = arith.constant 0 : i32
    %dma_start3A_81 = tpu.memref_slice %arg2[%add3A_68, %dma_start3A_80] : memref<10000x128xf32, #tpu.memory_space<hbm>> -> memref<160x128xf32, #tpu.memory_space<hbm>>
    tpu.enqueue_dma source(%dma_start3A_81 : memref<160x128xf32, #tpu.memory_space<hbm>>) target(%dma_start3A_79 : memref<160x128xf32, #tpu.memory_space<vmem>>) target_semaphore(%arg17 : memref<!tpu.dma_semaphore, #tpu.memory_space<semaphore_mem>>)
    %dma_wait3A_82 = arith.constant 1 : i32
    %dma_wait3A_83 = arith.constant 0 : i32
    %dma_wait3A_84 = arith.constant 0 : i32
    %dma_wait3A_85 = tpu.memref_slice %arg6[%dma_wait3A_82, %dma_wait3A_83, %dma_wait3A_84] : memref<2x160x128xf32, #tpu.memory_space<vmem>> -> memref<1x160x128xf32, #tpu.memory_space<vmem>>
    %dma_wait3A_86 = tpu.memref_squeeze %dma_wait3A_85 : memref<1x160x128xf32, #tpu.memory_space<vmem>> -> memref<160x128xf32, #tpu.memory_space<vmem>>
    %dma_wait3A_87 = arith.constant 0 : i32
    %dma_wait3A_88 = tpu.memref_slice %arg2[%add3A_41, %dma_wait3A_87] : memref<10000x128xf32, #tpu.memory_space<hbm>> -> memref<160x128xf32, #tpu.memory_space<hbm>>
    %dma_wait3A_89 = arith.constant 0 : i32
    %dma_wait3A_90 = arith.constant 0 : i32
    %dma_wait3A_91 = tpu.memref_slice %arg6[%dma_wait3A_82, %dma_wait3A_89, %dma_wait3A_90] : memref<2x160x128xf32, #tpu.memory_space<vmem>> -> memref<1x160x128xf32, #tpu.memory_space<vmem>>
    %dma_wait3A_92 = tpu.memref_squeeze %dma_wait3A_91 : memref<1x160x128xf32, #tpu.memory_space<vmem>> -> memref<160x128xf32, #tpu.memory_space<vmem>>
    %dma_wait3A_93 = arith.constant 0 : i32
    %dma_wait3A_94 = tpu.memref_slice %arg2[%add3A_41, %dma_wait3A_93] : memref<10000x128xf32, #tpu.memory_space<hbm>> -> memref<160x128xf32, #tpu.memory_space<hbm>>
    tpu.wait_dma2 semaphore(%arg18 : memref<!tpu.dma_semaphore, #tpu.memory_space<semaphore_mem>>) src(%dma_wait3A_94 : memref<160x128xf32, #tpu.memory_space<hbm>>) dst(%dma_wait3A_92 : memref<160x128xf32, #tpu.memory_space<vmem>>)
    %add3A_95 = arith.constant 480 : i32
    %add3A_96 = arith.addi %min3A_7, %add3A_95 : i32
    %dma_start3A_97 = arith.constant 1 : i32
    %dma_start3A_98 = arith.constant 0 : i32
    %dma_start3A_99 = arith.constant 0 : i32
    %dma_start3A_100 = tpu.memref_slice %arg6[%dma_start3A_97, %dma_start3A_98, %dma_start3A_99] : memref<2x160x128xf32, #tpu.memory_space<vmem>> -> memref<1x160x128xf32, #tpu.memory_space<vmem>>
    %dma_start3A_101 = tpu.memref_squeeze %dma_start3A_100 : memref<1x160x128xf32, #tpu.memory_space<vmem>> -> memref<160x128xf32, #tpu.memory_space<vmem>>
    %dma_start3A_102 = arith.constant 0 : i32
    %dma_start3A_103 = tpu.memref_slice %arg2[%add3A_96, %dma_start3A_102] : memref<10000x128xf32, #tpu.memory_space<hbm>> -> memref<160x128xf32, #tpu.memory_space<hbm>>
    %dma_start3A_104 = arith.constant 0 : i32
    %dma_start3A_105 = arith.constant 0 : i32
    %dma_start3A_106 = tpu.memref_slice %arg6[%dma_start3A_97, %dma_start3A_104, %dma_start3A_105] : memref<2x160x128xf32, #tpu.memory_space<vmem>> -> memref<1x160x128xf32, #tpu.memory_space<vmem>>
    %dma_start3A_107 = tpu.memref_squeeze %dma_start3A_106 : memref<1x160x128xf32, #tpu.memory_space<vmem>> -> memref<160x128xf32, #tpu.memory_space<vmem>>
    %dma_start3A_108 = arith.constant 0 : i32
    %dma_start3A_109 = tpu.memref_slice %arg2[%add3A_96, %dma_start3A_108] : memref<10000x128xf32, #tpu.memory_space<hbm>> -> memref<160x128xf32, #tpu.memory_space<hbm>>
    tpu.enqueue_dma source(%dma_start3A_109 : memref<160x128xf32, #tpu.memory_space<hbm>>) target(%dma_start3A_107 : memref<160x128xf32, #tpu.memory_space<vmem>>) target_semaphore(%arg18 : memref<!tpu.dma_semaphore, #tpu.memory_space<semaphore_mem>>)
    %dma_wait3A_110 = arith.constant 0 : i32
    %dma_wait3A_111 = arith.constant 0 : i32
    %dma_wait3A_112 = arith.constant 0 : i32
    %dma_wait3A_113 = tpu.memref_slice %arg6[%dma_wait3A_110, %dma_wait3A_111, %dma_wait3A_112] : memref<2x160x128xf32, #tpu.memory_space<vmem>> -> memref<1x160x128xf32, #tpu.memory_space<vmem>>
    %dma_wait3A_114 = tpu.memref_squeeze %dma_wait3A_113 : memref<1x160x128xf32, #tpu.memory_space<vmem>> -> memref<160x128xf32, #tpu.memory_space<vmem>>
    %dma_wait3A_115 = arith.constant 0 : i32
    %dma_wait3A_116 = tpu.memref_slice %arg2[%add3A_68, %dma_wait3A_115] : memref<10000x128xf32, #tpu.memory_space<hbm>> -> memref<160x128xf32, #tpu.memory_space<hbm>>
    %dma_wait3A_117 = arith.constant 0 : i32
    %dma_wait3A_118 = arith.constant 0 : i32
    %dma_wait3A_119 = tpu.memref_slice %arg6[%dma_wait3A_110, %dma_wait3A_117, %dma_wait3A_118] : memref<2x160x128xf32, #tpu.memory_space<vmem>> -> memref<1x160x128xf32, #tpu.memory_space<vmem>>
    %dma_wait3A_120 = tpu.memref_squeeze %dma_wait3A_119 : memref<1x160x128xf32, #tpu.memory_space<vmem>> -> memref<160x128xf32, #tpu.memory_space<vmem>>
    %dma_wait3A_121 = arith.constant 0 : i32
    %dma_wait3A_122 = tpu.memref_slice %arg2[%add3A_68, %dma_wait3A_121] : memref<10000x128xf32, #tpu.memory_space<hbm>> -> memref<160x128xf32, #tpu.memory_space<hbm>>
    tpu.wait_dma2 semaphore(%arg17 : memref<!tpu.dma_semaphore, #tpu.memory_space<semaphore_mem>>) src(%dma_wait3A_122 : memref<160x128xf32, #tpu.memory_space<hbm>>) dst(%dma_wait3A_120 : memref<160x128xf32, #tpu.memory_space<vmem>>)
    %dma_wait3A_123 = arith.constant 1 : i32
    %dma_wait3A_124 = arith.constant 0 : i32
    %dma_wait3A_125 = arith.constant 0 : i32
    %dma_wait3A_126 = tpu.memref_slice %arg6[%dma_wait3A_123, %dma_wait3A_124, %dma_wait3A_125] : memref<2x160x128xf32, #tpu.memory_space<vmem>> -> memref<1x160x128xf32, #tpu.memory_space<vmem>>
    %dma_wait3A_127 = tpu.memref_squeeze %dma_wait3A_126 : memref<1x160x128xf32, #tpu.memory_space<vmem>> -> memref<160x128xf32, #tpu.memory_space<vmem>>
    %dma_wait3A_128 = arith.constant 0 : i32
    %dma_wait3A_129 = tpu.memref_slice %arg2[%add3A_96, %dma_wait3A_128] : memref<10000x128xf32, #tpu.memory_space<hbm>> -> memref<160x128xf32, #tpu.memory_space<hbm>>
    %dma_wait3A_130 = arith.constant 0 : i32
    %dma_wait3A_131 = arith.constant 0 : i32
    %dma_wait3A_132 = tpu.memref_slice %arg6[%dma_wait3A_123, %dma_wait3A_130, %dma_wait3A_131] : memref<2x160x128xf32, #tpu.memory_space<vmem>> -> memref<1x160x128xf32, #tpu.memory_space<vmem>>
    %dma_wait3A_133 = tpu.memref_squeeze %dma_wait3A_132 : memref<1x160x128xf32, #tpu.memory_space<vmem>> -> memref<160x128xf32, #tpu.memory_space<vmem>>
    %dma_wait3A_134 = arith.constant 0 : i32
    %dma_wait3A_135 = tpu.memref_slice %arg2[%add3A_96, %dma_wait3A_134] : memref<10000x128xf32, #tpu.memory_space<hbm>> -> memref<160x128xf32, #tpu.memory_space<hbm>>
    tpu.wait_dma2 semaphore(%arg18 : memref<!tpu.dma_semaphore, #tpu.memory_space<semaphore_mem>>) src(%dma_wait3A_135 : memref<160x128xf32, #tpu.memory_space<hbm>>) dst(%dma_wait3A_133 : memref<160x128xf32, #tpu.memory_space<vmem>>)
    "tpu.region"() ({
      %run_scoped3A = tpu.sem_alloc : memref<!tpu.dma_semaphore, #tpu.memory_space<semaphore_mem>>
      %dma_start3A_162 = tpu.memref_slice %arg13[%min3A_7] : memref<10240xf32, #tpu.memory_space<vmem_shared>> -> memref<640xf32, #tpu.memory_space<vmem_shared>>
      %dma_start3A_163 = tpu.memref_slice %arg13[%min3A_7] : memref<10240xf32, #tpu.memory_space<vmem_shared>> -> memref<640xf32, #tpu.memory_space<vmem_shared>>
      tpu.enqueue_dma source(%arg7 : memref<640xf32, #tpu.memory_space<vmem>>) target(%dma_start3A_163 : memref<640xf32, #tpu.memory_space<vmem_shared>>) target_semaphore(%run_scoped3A : memref<!tpu.dma_semaphore, #tpu.memory_space<semaphore_mem>>)
      %dma_wait3A_164 = tpu.memref_slice %arg13[%min3A_7] : memref<10240xf32, #tpu.memory_space<vmem_shared>> -> memref<640xf32, #tpu.memory_space<vmem_shared>>
      %dma_wait3A_165 = tpu.memref_slice %arg13[%min3A_7] : memref<10240xf32, #tpu.memory_space<vmem_shared>> -> memref<640xf32, #tpu.memory_space<vmem_shared>>
      tpu.wait_dma2 semaphore(%run_scoped3A : memref<!tpu.dma_semaphore, #tpu.memory_space<semaphore_mem>>) src(%arg7 : memref<640xf32, #tpu.memory_space<vmem>>) dst(%dma_wait3A_165 : memref<640xf32, #tpu.memory_space<vmem_shared>>)
      tpu.yield
    }) : () -> ()
    %barrier3A = arith.constant 0 : index
    tpu.barrier barrier_id(%barrier3A)
    "tpu.region"() ({
      %run_scoped3A = tpu.sem_alloc : memref<!tpu.dma_semaphore, #tpu.memory_space<semaphore_mem>>
      tpu.enqueue_dma source(%arg13 : memref<10240xf32, #tpu.memory_space<vmem_shared>>) target(%arg8 : memref<10240xf32, #tpu.memory_space<vmem>>) target_semaphore(%run_scoped3A : memref<!tpu.dma_semaphore, #tpu.memory_space<semaphore_mem>>)
      tpu.wait_dma2 semaphore(%run_scoped3A : memref<!tpu.dma_semaphore, #tpu.memory_space<semaphore_mem>>) src(%arg13 : memref<10240xf32, #tpu.memory_space<vmem_shared>>) dst(%arg8 : memref<10240xf32, #tpu.memory_space<vmem>>)
      tpu.yield
    }) : () -> ()
    "tpu.region"() ({
      %run_scoped3A = tpu.sem_alloc : memref<!tpu.dma_semaphore, #tpu.memory_space<semaphore_mem>>
      tpu.enqueue_dma source(%arg13 : memref<10240xf32, #tpu.memory_space<vmem_shared>>) target(%arg9 : memref<10240xf32, #tpu.memory_space<vmem>>) target_semaphore(%run_scoped3A : memref<!tpu.dma_semaphore, #tpu.memory_space<semaphore_mem>>)
      tpu.wait_dma2 semaphore(%run_scoped3A : memref<!tpu.dma_semaphore, #tpu.memory_space<semaphore_mem>>) src(%arg13 : memref<10240xf32, #tpu.memory_space<vmem_shared>>) dst(%arg9 : memref<10240xf32, #tpu.memory_space<vmem>>)
      tpu.yield
    }) : () -> ()
    %eq3A = arith.constant 0 : i32
    %eq3A_136 = arith.cmpi eq, %arg0, %eq3A : i32
    %convert_element_type3A = arith.extui %eq3A_136 : i1 to i32
    %cond3A = arith.constant 0 : i32
    %cond3A_137 = arith.cmpi ne, %convert_element_type3A, %cond3A : i32
    scf.if %cond3A_137 {
      "tpu.region"() ({
        %run_scoped3A = tpu.sem_alloc : memref<!tpu.dma_semaphore, #tpu.memory_space<semaphore_mem>>
        %dma_start3A_162 = tpu.memref_slice %arg5[%min3A_7] : memref<10000xf32, #tpu.memory_space<hbm>> -> memref<640xf32, #tpu.memory_space<hbm>>
        %dma_start3A_163 = tpu.memref_slice %arg5[%min3A_7] : memref<10000xf32, #tpu.memory_space<hbm>> -> memref<640xf32, #tpu.memory_space<hbm>>
        tpu.enqueue_dma source(%arg7 : memref<640xf32, #tpu.memory_space<vmem>>) target(%dma_start3A_163 : memref<640xf32, #tpu.memory_space<hbm>>) target_semaphore(%run_scoped3A : memref<!tpu.dma_semaphore, #tpu.memory_space<semaphore_mem>>)
        %dma_wait3A_164 = tpu.memref_slice %arg5[%min3A_7] : memref<10000xf32, #tpu.memory_space<hbm>> -> memref<640xf32, #tpu.memory_space<hbm>>
        %dma_wait3A_165 = tpu.memref_slice %arg5[%min3A_7] : memref<10000xf32, #tpu.memory_space<hbm>> -> memref<640xf32, #tpu.memory_space<hbm>>
        tpu.wait_dma2 semaphore(%run_scoped3A : memref<!tpu.dma_semaphore, #tpu.memory_space<semaphore_mem>>) src(%arg7 : memref<640xf32, #tpu.memory_space<vmem>>) dst(%dma_wait3A_165 : memref<640xf32, #tpu.memory_space<hbm>>)
        tpu.yield
      }) : () -> ()
    } else {
    }
    %dma_wait3A_138 = arith.constant 0 : i32
    %dma_wait3A_139 = tpu.memref_slice %arg3[%dma_wait3A_138, %min3A_3] : memref<2x320000xi32, #tpu.memory_space<hbm>> -> memref<2x10112xi32, #tpu.memory_space<hbm>>
    %dma_wait3A_140 = arith.constant 0 : i32
    %dma_wait3A_141 = tpu.memref_slice %arg3[%dma_wait3A_140, %min3A_3] : memref<2x320000xi32, #tpu.memory_space<hbm>> -> memref<2x10112xi32, #tpu.memory_space<hbm>>
    tpu.wait_dma2 semaphore(%arg16 : memref<!tpu.dma_semaphore, #tpu.memory_space<semaphore_mem>>) src(%dma_wait3A_141 : memref<2x10112xi32, #tpu.memory_space<hbm>>) dst(%arg10 : memref<2x10112xi32, #tpu.memory_space<vmem>>)
    %while3A = arith.constant 0 : i32
    %while3A_142 = arith.constant 0 : i32
    %while3A_143 = arith.constant 0 : i32
    %while3A_144 = arith.subi %while3A_143, %while3A_142 : i32
    %while3A_145 = arith.addi %while3A_142, %while3A_144 : i32
    %while3A_146 = arith.constant 1 : i32
    %while3A_147 = arith.divsi %while3A_144, %while3A_146 : i32
    %while3A_148 = arith.muli %while3A_147, %while3A_146 : i32
    %while3A_149 = arith.addi %while3A_142, %while3A_148 : i32
    %while3A_150 = arith.constant 1 : i32
    scf.for %while3A_162 = %while3A_142 to %while3A_149 step %while3A_150  : i32 {
      %get3A = arith.index_cast %while3A_162 : i32 to index
      %get3A_163 = memref.load %arg15[%get3A] : memref<80xi32, #tpu.memory_space<smem>>
      %mul3A_164 = arith.constant 128 : i32
      %mul3A_165 = arith.muli %get3A_163, %mul3A_164 : i32
      %add3A_166 = arith.constant 0 : i32
      %add3A_167 = arith.addi %mul3A_165, %add3A_166 : i32
      %get3A_168 = arith.constant 0 : i32
      %get3A_169 = arith.index_cast %get3A_168 : i32 to index
      %get3A_170 = arith.index_cast %add3A_167 : i32 to index
      %get3A_171 = tpu.vector_load %arg10[%get3A_169, %get3A_170] {strides = array<i32>} : memref<2x10112xi32, #tpu.memory_space<vmem>>, vector<16xi32>,
      %add3A_172 = arith.constant 0 : i32
      %add3A_173 = arith.addi %mul3A_165, %add3A_172 : i32
      %get3A_174 = arith.constant 1 : i32
      %get3A_175 = arith.index_cast %get3A_174 : i32 to index
      %get3A_176 = arith.index_cast %add3A_173 : i32 to index
      %get3A_177 = tpu.vector_load %arg10[%get3A_175, %get3A_176] {strides = array<i32>} : memref<2x10112xi32, #tpu.memory_space<vmem>>, vector<16xi32>,
      %gather3A = tpu.vector_load_idx %arg8[%get3A_171] : memref<10240xf32, #tpu.memory_space<vmem>>[vector<16xi32>], vector<16xf32>,
      %while3A_178 = arith.constant true
      %while3A_179 = scf.while (%while3A_285 = %while3A_178) : (i1) -> i1 {
        scf.condition(%while3A_285) %while3A_285 : i1
      } do {
      ^bb0(%while3A_285: i1):
        %gather3A_286 = tpu.vector_load_idx %arg9[%get3A_177] : memref<10240xf32, #tpu.memory_space<vmem>>[vector<16xi32>], vector<16xf32>,
        %max3A = arith.maximumf %gather3A_286, %gather3A : vector<16xf32>
        %gt3A = arith.cmpf ogt, %gather3A, %gather3A_286 : vector<16xf32>
        tpu.vector_store_idx %arg9[%get3A_177], %max3A masked %gt3A : memref<10240xf32, #tpu.memory_space<vmem>>[vector<16xi32>], vector<16xf32>, vector<16xi1>
        %gather3A_287 = tpu.vector_load_idx %arg9[%get3A_177] : memref<10240xf32, #tpu.memory_space<vmem>>[vector<16xi32>], vector<16xf32>,
        %gt3A_288 = arith.cmpf ogt, %gather3A, %gather3A_287 : vector<16xf32>
        %reduce_or3A = arith.constant 1.000000e+00 : f32
        %reduce_or3A_289 = arith.constant 0.000000e+00 : f32
        %reduce_or3A_290 = vector.broadcast %reduce_or3A : f32 to vector<16xf32>
        %reduce_or3A_291 = vector.broadcast %reduce_or3A_289 : f32 to vector<16xf32>
        %reduce_or3A_292 = arith.select %gt3A_288, %reduce_or3A_290, %reduce_or3A_291 : vector<16xi1>, vector<16xf32>
        %reduce_or3A_293 = arith.constant true
        %reduce_or3A_294 = vector.broadcast %reduce_or3A_293 : i1 to vector<16xi1>
        %reduce_or3A_295 = tpu.scan <max>, %reduce_or3A_292 masked %reduce_or3A_294 : vector<16xf32>, vector<16xi1> -> vector<16xf32>
        %reduce_or3A_296 = vector.extract %reduce_or3A_295[15] : f32 from vector<16xf32>
        %reduce_or3A_297 = arith.constant 0.000000e+00 : f32
        %reduce_or3A_298 = arith.cmpf ogt, %reduce_or3A_296, %reduce_or3A_297 : f32
        scf.yield %reduce_or3A_298 : i1
      }
      %add3A_180 = arith.constant 16 : i32
      %add3A_181 = arith.addi %mul3A_165, %add3A_180 : i32
      %get3A_182 = arith.constant 0 : i32
      %get3A_183 = arith.index_cast %get3A_182 : i32 to index
      %get3A_184 = arith.index_cast %add3A_181 : i32 to index
      %get3A_185 = tpu.vector_load %arg10[%get3A_183, %get3A_184] {strides = array<i32>} : memref<2x10112xi32, #tpu.memory_space<vmem>>, vector<16xi32>,
      %add3A_186 = arith.constant 16 : i32
      %add3A_187 = arith.addi %mul3A_165, %add3A_186 : i32
      %get3A_188 = arith.constant 1 : i32
      %get3A_189 = arith.index_cast %get3A_188 : i32 to index
      %get3A_190 = arith.index_cast %add3A_187 : i32 to index
      %get3A_191 = tpu.vector_load %arg10[%get3A_189, %get3A_190] {strides = array<i32>} : memref<2x10112xi32, #tpu.memory_space<vmem>>, vector<16xi32>,
      %gather3A_192 = tpu.vector_load_idx %arg8[%get3A_185] : memref<10240xf32, #tpu.memory_space<vmem>>[vector<16xi32>], vector<16xf32>,
      %while3A_193 = arith.constant true
      %while3A_194 = scf.while (%while3A_285 = %while3A_193) : (i1) -> i1 {
        scf.condition(%while3A_285) %while3A_285 : i1
      } do {
      ^bb0(%while3A_285: i1):
        %gather3A_286 = tpu.vector_load_idx %arg9[%get3A_191] : memref<10240xf32, #tpu.memory_space<vmem>>[vector<16xi32>], vector<16xf32>,
        %max3A = arith.maximumf %gather3A_286, %gather3A_192 : vector<16xf32>
        %gt3A = arith.cmpf ogt, %gather3A_192, %gather3A_286 : vector<16xf32>
        tpu.vector_store_idx %arg9[%get3A_191], %max3A masked %gt3A : memref<10240xf32, #tpu.memory_space<vmem>>[vector<16xi32>], vector<16xf32>, vector<16xi1>
        %gather3A_287 = tpu.vector_load_idx %arg9[%get3A_191] : memref<10240xf32, #tpu.memory_space<vmem>>[vector<16xi32>], vector<16xf32>,
        %gt3A_288 = arith.cmpf ogt, %gather3A_192, %gather3A_287 : vector<16xf32>
        %reduce_or3A = arith.constant 1.000000e+00 : f32
        %reduce_or3A_289 = arith.constant 0.000000e+00 : f32
        %reduce_or3A_290 = vector.broadcast %reduce_or3A : f32 to vector<16xf32>
        %reduce_or3A_291 = vector.broadcast %reduce_or3A_289 : f32 to vector<16xf32>
        %reduce_or3A_292 = arith.select %gt3A_288, %reduce_or3A_290, %reduce_or3A_291 : vector<16xi1>, vector<16xf32>
        %reduce_or3A_293 = arith.constant true
        %reduce_or3A_294 = vector.broadcast %reduce_or3A_293 : i1 to vector<16xi1>
        %reduce_or3A_295 = tpu.scan <max>, %reduce_or3A_292 masked %reduce_or3A_294 : vector<16xf32>, vector<16xi1> -> vector<16xf32>
        %reduce_or3A_296 = vector.extract %reduce_or3A_295[15] : f32 from vector<16xf32>
        %reduce_or3A_297 = arith.constant 0.000000e+00 : f32
        %reduce_or3A_298 = arith.cmpf ogt, %reduce_or3A_296, %reduce_or3A_297 : f32
        scf.yield %reduce_or3A_298 : i1
      }
      %add3A_195 = arith.constant 32 : i32
      %add3A_196 = arith.addi %mul3A_165, %add3A_195 : i32
      %get3A_197 = arith.constant 0 : i32
      %get3A_198 = arith.index_cast %get3A_197 : i32 to index
      %get3A_199 = arith.index_cast %add3A_196 : i32 to index
      %get3A_200 = tpu.vector_load %arg10[%get3A_198, %get3A_199] {strides = array<i32>} : memref<2x10112xi32, #tpu.memory_space<vmem>>, vector<16xi32>,
      %add3A_201 = arith.constant 32 : i32
      %add3A_202 = arith.addi %mul3A_165, %add3A_201 : i32
      %get3A_203 = arith.constant 1 : i32
      %get3A_204 = arith.index_cast %get3A_203 : i32 to index
      %get3A_205 = arith.index_cast %add3A_202 : i32 to index
      %get3A_206 = tpu.vector_load %arg10[%get3A_204, %get3A_205] {strides = array<i32>} : memref<2x10112xi32, #tpu.memory_space<vmem>>, vector<16xi32>,
      %gather3A_207 = tpu.vector_load_idx %arg8[%get3A_200] : memref<10240xf32, #tpu.memory_space<vmem>>[vector<16xi32>], vector<16xf32>,
      %while3A_208 = arith.constant true
      %while3A_209 = scf.while (%while3A_285 = %while3A_208) : (i1) -> i1 {
        scf.condition(%while3A_285) %while3A_285 : i1
      } do {
      ^bb0(%while3A_285: i1):
        %gather3A_286 = tpu.vector_load_idx %arg9[%get3A_206] : memref<10240xf32, #tpu.memory_space<vmem>>[vector<16xi32>], vector<16xf32>,
        %max3A = arith.maximumf %gather3A_286, %gather3A_207 : vector<16xf32>
        %gt3A = arith.cmpf ogt, %gather3A_207, %gather3A_286 : vector<16xf32>
        tpu.vector_store_idx %arg9[%get3A_206], %max3A masked %gt3A : memref<10240xf32, #tpu.memory_space<vmem>>[vector<16xi32>], vector<16xf32>, vector<16xi1>
        %gather3A_287 = tpu.vector_load_idx %arg9[%get3A_206] : memref<10240xf32, #tpu.memory_space<vmem>>[vector<16xi32>], vector<16xf32>,
        %gt3A_288 = arith.cmpf ogt, %gather3A_207, %gather3A_287 : vector<16xf32>
        %reduce_or3A = arith.constant 1.000000e+00 : f32
        %reduce_or3A_289 = arith.constant 0.000000e+00 : f32
        %reduce_or3A_290 = vector.broadcast %reduce_or3A : f32 to vector<16xf32>
        %reduce_or3A_291 = vector.broadcast %reduce_or3A_289 : f32 to vector<16xf32>
        %reduce_or3A_292 = arith.select %gt3A_288, %reduce_or3A_290, %reduce_or3A_291 : vector<16xi1>, vector<16xf32>
        %reduce_or3A_293 = arith.constant true
        %reduce_or3A_294 = vector.broadcast %reduce_or3A_293 : i1 to vector<16xi1>
        %reduce_or3A_295 = tpu.scan <max>, %reduce_or3A_292 masked %reduce_or3A_294 : vector<16xf32>, vector<16xi1> -> vector<16xf32>
        %reduce_or3A_296 = vector.extract %reduce_or3A_295[15] : f32 from vector<16xf32>
        %reduce_or3A_297 = arith.constant 0.000000e+00 : f32
        %reduce_or3A_298 = arith.cmpf ogt, %reduce_or3A_296, %reduce_or3A_297 : f32
        scf.yield %reduce_or3A_298 : i1
      }
      %add3A_210 = arith.constant 48 : i32
      %add3A_211 = arith.addi %mul3A_165, %add3A_210 : i32
      %get3A_212 = arith.constant 0 : i32
      %get3A_213 = arith.index_cast %get3A_212 : i32 to index
      %get3A_214 = arith.index_cast %add3A_211 : i32 to index
      %get3A_215 = tpu.vector_load %arg10[%get3A_213, %get3A_214] {strides = array<i32>} : memref<2x10112xi32, #tpu.memory_space<vmem>>, vector<16xi32>,
      %add3A_216 = arith.constant 48 : i32
      %add3A_217 = arith.addi %mul3A_165, %add3A_216 : i32
      %get3A_218 = arith.constant 1 : i32
      %get3A_219 = arith.index_cast %get3A_218 : i32 to index
      %get3A_220 = arith.index_cast %add3A_217 : i32 to index
      %get3A_221 = tpu.vector_load %arg10[%get3A_219, %get3A_220] {strides = array<i32>} : memref<2x10112xi32, #tpu.memory_space<vmem>>, vector<16xi32>,
      %gather3A_222 = tpu.vector_load_idx %arg8[%get3A_215] : memref<10240xf32, #tpu.memory_space<vmem>>[vector<16xi32>], vector<16xf32>,
      %while3A_223 = arith.constant true
      %while3A_224 = scf.while (%while3A_285 = %while3A_223) : (i1) -> i1 {
        scf.condition(%while3A_285) %while3A_285 : i1
      } do {
      ^bb0(%while3A_285: i1):
        %gather3A_286 = tpu.vector_load_idx %arg9[%get3A_221] : memref<10240xf32, #tpu.memory_space<vmem>>[vector<16xi32>], vector<16xf32>,
        %max3A = arith.maximumf %gather3A_286, %gather3A_222 : vector<16xf32>
        %gt3A = arith.cmpf ogt, %gather3A_222, %gather3A_286 : vector<16xf32>
        tpu.vector_store_idx %arg9[%get3A_221], %max3A masked %gt3A : memref<10240xf32, #tpu.memory_space<vmem>>[vector<16xi32>], vector<16xf32>, vector<16xi1>
        %gather3A_287 = tpu.vector_load_idx %arg9[%get3A_221] : memref<10240xf32, #tpu.memory_space<vmem>>[vector<16xi32>], vector<16xf32>,
        %gt3A_288 = arith.cmpf ogt, %gather3A_222, %gather3A_287 : vector<16xf32>
        %reduce_or3A = arith.constant 1.000000e+00 : f32
        %reduce_or3A_289 = arith.constant 0.000000e+00 : f32
        %reduce_or3A_290 = vector.broadcast %reduce_or3A : f32 to vector<16xf32>
        %reduce_or3A_291 = vector.broadcast %reduce_or3A_289 : f32 to vector<16xf32>
        %reduce_or3A_292 = arith.select %gt3A_288, %reduce_or3A_290, %reduce_or3A_291 : vector<16xi1>, vector<16xf32>
        %reduce_or3A_293 = arith.constant true
        %reduce_or3A_294 = vector.broadcast %reduce_or3A_293 : i1 to vector<16xi1>
        %reduce_or3A_295 = tpu.scan <max>, %reduce_or3A_292 masked %reduce_or3A_294 : vector<16xf32>, vector<16xi1> -> vector<16xf32>
        %reduce_or3A_296 = vector.extract %reduce_or3A_295[15] : f32 from vector<16xf32>
        %reduce_or3A_297 = arith.constant 0.000000e+00 : f32
        %reduce_or3A_298 = arith.cmpf ogt, %reduce_or3A_296, %reduce_or3A_297 : f32
        scf.yield %reduce_or3A_298 : i1
      }
      %add3A_225 = arith.constant 64 : i32
      %add3A_226 = arith.addi %mul3A_165, %add3A_225 : i32
      %get3A_227 = arith.constant 0 : i32
      %get3A_228 = arith.index_cast %get3A_227 : i32 to index
      %get3A_229 = arith.index_cast %add3A_226 : i32 to index
      %get3A_230 = tpu.vector_load %arg10[%get3A_228, %get3A_229] {strides = array<i32>} : memref<2x10112xi32, #tpu.memory_space<vmem>>, vector<16xi32>,
      %add3A_231 = arith.constant 64 : i32
      %add3A_232 = arith.addi %mul3A_165, %add3A_231 : i32
      %get3A_233 = arith.constant 1 : i32
      %get3A_234 = arith.index_cast %get3A_233 : i32 to index
      %get3A_235 = arith.index_cast %add3A_232 : i32 to index
      %get3A_236 = tpu.vector_load %arg10[%get3A_234, %get3A_235] {strides = array<i32>} : memref<2x10112xi32, #tpu.memory_space<vmem>>, vector<16xi32>,
      %gather3A_237 = tpu.vector_load_idx %arg8[%get3A_230] : memref<10240xf32, #tpu.memory_space<vmem>>[vector<16xi32>], vector<16xf32>,
      %while3A_238 = arith.constant true
      %while3A_239 = scf.while (%while3A_285 = %while3A_238) : (i1) -> i1 {
        scf.condition(%while3A_285) %while3A_285 : i1
      } do {
      ^bb0(%while3A_285: i1):
        %gather3A_286 = tpu.vector_load_idx %arg9[%get3A_236] : memref<10240xf32, #tpu.memory_space<vmem>>[vector<16xi32>], vector<16xf32>,
        %max3A = arith.maximumf %gather3A_286, %gather3A_237 : vector<16xf32>
        %gt3A = arith.cmpf ogt, %gather3A_237, %gather3A_286 : vector<16xf32>
        tpu.vector_store_idx %arg9[%get3A_236], %max3A masked %gt3A : memref<10240xf32, #tpu.memory_space<vmem>>[vector<16xi32>], vector<16xf32>, vector<16xi1>
        %gather3A_287 = tpu.vector_load_idx %arg9[%get3A_236] : memref<10240xf32, #tpu.memory_space<vmem>>[vector<16xi32>], vector<16xf32>,
        %gt3A_288 = arith.cmpf ogt, %gather3A_237, %gather3A_287 : vector<16xf32>
        %reduce_or3A = arith.constant 1.000000e+00 : f32
        %reduce_or3A_289 = arith.constant 0.000000e+00 : f32
        %reduce_or3A_290 = vector.broadcast %reduce_or3A : f32 to vector<16xf32>
        %reduce_or3A_291 = vector.broadcast %reduce_or3A_289 : f32 to vector<16xf32>
        %reduce_or3A_292 = arith.select %gt3A_288, %reduce_or3A_290, %reduce_or3A_291 : vector<16xi1>, vector<16xf32>
        %reduce_or3A_293 = arith.constant true
        %reduce_or3A_294 = vector.broadcast %reduce_or3A_293 : i1 to vector<16xi1>
        %reduce_or3A_295 = tpu.scan <max>, %reduce_or3A_292 masked %reduce_or3A_294 : vector<16xf32>, vector<16xi1> -> vector<16xf32>
        %reduce_or3A_296 = vector.extract %reduce_or3A_295[15] : f32 from vector<16xf32>
        %reduce_or3A_297 = arith.constant 0.000000e+00 : f32
        %reduce_or3A_298 = arith.cmpf ogt, %reduce_or3A_296, %reduce_or3A_297 : f32
        scf.yield %reduce_or3A_298 : i1
      }
      %add3A_240 = arith.constant 80 : i32
      %add3A_241 = arith.addi %mul3A_165, %add3A_240 : i32
      %get3A_242 = arith.constant 0 : i32
      %get3A_243 = arith.index_cast %get3A_242 : i32 to index
      %get3A_244 = arith.index_cast %add3A_241 : i32 to index
      %get3A_245 = tpu.vector_load %arg10[%get3A_243, %get3A_244] {strides = array<i32>} : memref<2x10112xi32, #tpu.memory_space<vmem>>, vector<16xi32>,
      %add3A_246 = arith.constant 80 : i32
      %add3A_247 = arith.addi %mul3A_165, %add3A_246 : i32
      %get3A_248 = arith.constant 1 : i32
      %get3A_249 = arith.index_cast %get3A_248 : i32 to index
      %get3A_250 = arith.index_cast %add3A_247 : i32 to index
      %get3A_251 = tpu.vector_load %arg10[%get3A_249, %get3A_250] {strides = array<i32>} : memref<2x10112xi32, #tpu.memory_space<vmem>>, vector<16xi32>,
      %gather3A_252 = tpu.vector_load_idx %arg8[%get3A_245] : memref<10240xf32, #tpu.memory_space<vmem>>[vector<16xi32>], vector<16xf32>,
      %while3A_253 = arith.constant true
      %while3A_254 = scf.while (%while3A_285 = %while3A_253) : (i1) -> i1 {
        scf.condition(%while3A_285) %while3A_285 : i1
      } do {
      ^bb0(%while3A_285: i1):
        %gather3A_286 = tpu.vector_load_idx %arg9[%get3A_251] : memref<10240xf32, #tpu.memory_space<vmem>>[vector<16xi32>], vector<16xf32>,
        %max3A = arith.maximumf %gather3A_286, %gather3A_252 : vector<16xf32>
        %gt3A = arith.cmpf ogt, %gather3A_252, %gather3A_286 : vector<16xf32>
        tpu.vector_store_idx %arg9[%get3A_251], %max3A masked %gt3A : memref<10240xf32, #tpu.memory_space<vmem>>[vector<16xi32>], vector<16xf32>, vector<16xi1>
        %gather3A_287 = tpu.vector_load_idx %arg9[%get3A_251] : memref<10240xf32, #tpu.memory_space<vmem>>[vector<16xi32>], vector<16xf32>,
        %gt3A_288 = arith.cmpf ogt, %gather3A_252, %gather3A_287 : vector<16xf32>
        %reduce_or3A = arith.constant 1.000000e+00 : f32
        %reduce_or3A_289 = arith.constant 0.000000e+00 : f32
        %reduce_or3A_290 = vector.broadcast %reduce_or3A : f32 to vector<16xf32>
        %reduce_or3A_291 = vector.broadcast %reduce_or3A_289 : f32 to vector<16xf32>
        %reduce_or3A_292 = arith.select %gt3A_288, %reduce_or3A_290, %reduce_or3A_291 : vector<16xi1>, vector<16xf32>
        %reduce_or3A_293 = arith.constant true
        %reduce_or3A_294 = vector.broadcast %reduce_or3A_293 : i1 to vector<16xi1>
        %reduce_or3A_295 = tpu.scan <max>, %reduce_or3A_292 masked %reduce_or3A_294 : vector<16xf32>, vector<16xi1> -> vector<16xf32>
        %reduce_or3A_296 = vector.extract %reduce_or3A_295[15] : f32 from vector<16xf32>
        %reduce_or3A_297 = arith.constant 0.000000e+00 : f32
        %reduce_or3A_298 = arith.cmpf ogt, %reduce_or3A_296, %reduce_or3A_297 : f32
        scf.yield %reduce_or3A_298 : i1
      }
      %add3A_255 = arith.constant 96 : i32
      %add3A_256 = arith.addi %mul3A_165, %add3A_255 : i32
      %get3A_257 = arith.constant 0 : i32
      %get3A_258 = arith.index_cast %get3A_257 : i32 to index
      %get3A_259 = arith.index_cast %add3A_256 : i32 to index
      %get3A_260 = tpu.vector_load %arg10[%get3A_258, %get3A_259] {strides = array<i32>} : memref<2x10112xi32, #tpu.memory_space<vmem>>, vector<16xi32>,
      %add3A_261 = arith.constant 96 : i32
      %add3A_262 = arith.addi %mul3A_165, %add3A_261 : i32
      %get3A_263 = arith.constant 1 : i32
      %get3A_264 = arith.index_cast %get3A_263 : i32 to index
      %get3A_265 = arith.index_cast %add3A_262 : i32 to index
      %get3A_266 = tpu.vector_load %arg10[%get3A_264, %get3A_265] {strides = array<i32>} : memref<2x10112xi32, #tpu.memory_space<vmem>>, vector<16xi32>,
      %gather3A_267 = tpu.vector_load_idx %arg8[%get3A_260] : memref<10240xf32, #tpu.memory_space<vmem>>[vector<16xi32>], vector<16xf32>,
      %while3A_268 = arith.constant true
      %while3A_269 = scf.while (%while3A_285 = %while3A_268) : (i1) -> i1 {
        scf.condition(%while3A_285) %while3A_285 : i1
      } do {
      ^bb0(%while3A_285: i1):
        %gather3A_286 = tpu.vector_load_idx %arg9[%get3A_266] : memref<10240xf32, #tpu.memory_space<vmem>>[vector<16xi32>], vector<16xf32>,
        %max3A = arith.maximumf %gather3A_286, %gather3A_267 : vector<16xf32>
        %gt3A = arith.cmpf ogt, %gather3A_267, %gather3A_286 : vector<16xf32>
        tpu.vector_store_idx %arg9[%get3A_266], %max3A masked %gt3A : memref<10240xf32, #tpu.memory_space<vmem>>[vector<16xi32>], vector<16xf32>, vector<16xi1>
        %gather3A_287 = tpu.vector_load_idx %arg9[%get3A_266] : memref<10240xf32, #tpu.memory_space<vmem>>[vector<16xi32>], vector<16xf32>,
        %gt3A_288 = arith.cmpf ogt, %gather3A_267, %gather3A_287 : vector<16xf32>
        %reduce_or3A = arith.constant 1.000000e+00 : f32
        %reduce_or3A_289 = arith.constant 0.000000e+00 : f32
        %reduce_or3A_290 = vector.broadcast %reduce_or3A : f32 to vector<16xf32>
        %reduce_or3A_291 = vector.broadcast %reduce_or3A_289 : f32 to vector<16xf32>
        %reduce_or3A_292 = arith.select %gt3A_288, %reduce_or3A_290, %reduce_or3A_291 : vector<16xi1>, vector<16xf32>
        %reduce_or3A_293 = arith.constant true
        %reduce_or3A_294 = vector.broadcast %reduce_or3A_293 : i1 to vector<16xi1>
        %reduce_or3A_295 = tpu.scan <max>, %reduce_or3A_292 masked %reduce_or3A_294 : vector<16xf32>, vector<16xi1> -> vector<16xf32>
        %reduce_or3A_296 = vector.extract %reduce_or3A_295[15] : f32 from vector<16xf32>
        %reduce_or3A_297 = arith.constant 0.000000e+00 : f32
        %reduce_or3A_298 = arith.cmpf ogt, %reduce_or3A_296, %reduce_or3A_297 : f32
        scf.yield %reduce_or3A_298 : i1
      }
      %add3A_270 = arith.constant 112 : i32
      %add3A_271 = arith.addi %mul3A_165, %add3A_270 : i32
      %get3A_272 = arith.constant 0 : i32
      %get3A_273 = arith.index_cast %get3A_272 : i32 to index
      %get3A_274 = arith.index_cast %add3A_271 : i32 to index
      %get3A_275 = tpu.vector_load %arg10[%get3A_273, %get3A_274] {strides = array<i32>} : memref<2x10112xi32, #tpu.memory_space<vmem>>, vector<16xi32>,
      %add3A_276 = arith.constant 112 : i32
      %add3A_277 = arith.addi %mul3A_165, %add3A_276 : i32
      %get3A_278 = arith.constant 1 : i32
      %get3A_279 = arith.index_cast %get3A_278 : i32 to index
      %get3A_280 = arith.index_cast %add3A_277 : i32 to index
      %get3A_281 = tpu.vector_load %arg10[%get3A_279, %get3A_280] {strides = array<i32>} : memref<2x10112xi32, #tpu.memory_space<vmem>>, vector<16xi32>,
      %gather3A_282 = tpu.vector_load_idx %arg8[%get3A_275] : memref<10240xf32, #tpu.memory_space<vmem>>[vector<16xi32>], vector<16xf32>,
      %while3A_283 = arith.constant true
      %while3A_284 = scf.while (%while3A_285 = %while3A_283) : (i1) -> i1 {
        scf.condition(%while3A_285) %while3A_285 : i1
      } do {
      ^bb0(%while3A_285: i1):
        %gather3A_286 = tpu.vector_load_idx %arg9[%get3A_281] : memref<10240xf32, #tpu.memory_space<vmem>>[vector<16xi32>], vector<16xf32>,
        %max3A = arith.maximumf %gather3A_286, %gather3A_282 : vector<16xf32>
        %gt3A = arith.cmpf ogt, %gather3A_282, %gather3A_286 : vector<16xf32>
        tpu.vector_store_idx %arg9[%get3A_281], %max3A masked %gt3A : memref<10240xf32, #tpu.memory_space<vmem>>[vector<16xi32>], vector<16xf32>, vector<16xi1>
        %gather3A_287 = tpu.vector_load_idx %arg9[%get3A_281] : memref<10240xf32, #tpu.memory_space<vmem>>[vector<16xi32>], vector<16xf32>,
        %gt3A_288 = arith.cmpf ogt, %gather3A_282, %gather3A_287 : vector<16xf32>
        %reduce_or3A = arith.constant 1.000000e+00 : f32
        %reduce_or3A_289 = arith.constant 0.000000e+00 : f32
        %reduce_or3A_290 = vector.broadcast %reduce_or3A : f32 to vector<16xf32>
        %reduce_or3A_291 = vector.broadcast %reduce_or3A_289 : f32 to vector<16xf32>
        %reduce_or3A_292 = arith.select %gt3A_288, %reduce_or3A_290, %reduce_or3A_291 : vector<16xi1>, vector<16xf32>
        %reduce_or3A_293 = arith.constant true
        %reduce_or3A_294 = vector.broadcast %reduce_or3A_293 : i1 to vector<16xi1>
        %reduce_or3A_295 = tpu.scan <max>, %reduce_or3A_292 masked %reduce_or3A_294 : vector<16xf32>, vector<16xi1> -> vector<16xf32>
        %reduce_or3A_296 = vector.extract %reduce_or3A_295[15] : f32 from vector<16xf32>
        %reduce_or3A_297 = arith.constant 0.000000e+00 : f32
        %reduce_or3A_298 = arith.cmpf ogt, %reduce_or3A_296, %reduce_or3A_297 : f32
        scf.yield %reduce_or3A_298 : i1
      }
    }
    %while3A_151 = arith.constant 1 : i32
    scf.for %while3A_162 = %while3A_149 to %while3A_145 step %while3A_151  : i32 {
      %get3A = arith.index_cast %while3A_162 : i32 to index
      %get3A_163 = memref.load %arg15[%get3A] : memref<80xi32, #tpu.memory_space<smem>>
      %mul3A_164 = arith.constant 128 : i32
      %mul3A_165 = arith.muli %get3A_163, %mul3A_164 : i32
      %add3A_166 = arith.constant 0 : i32
      %add3A_167 = arith.addi %mul3A_165, %add3A_166 : i32
      %get3A_168 = arith.constant 0 : i32
      %get3A_169 = arith.index_cast %get3A_168 : i32 to index
      %get3A_170 = arith.index_cast %add3A_167 : i32 to index
      %get3A_171 = tpu.vector_load %arg10[%get3A_169, %get3A_170] {strides = array<i32>} : memref<2x10112xi32, #tpu.memory_space<vmem>>, vector<16xi32>,
      %add3A_172 = arith.constant 0 : i32
      %add3A_173 = arith.addi %mul3A_165, %add3A_172 : i32
      %get3A_174 = arith.constant 1 : i32
      %get3A_175 = arith.index_cast %get3A_174 : i32 to index
      %get3A_176 = arith.index_cast %add3A_173 : i32 to index
      %get3A_177 = tpu.vector_load %arg10[%get3A_175, %get3A_176] {strides = array<i32>} : memref<2x10112xi32, #tpu.memory_space<vmem>>, vector<16xi32>,
      %gather3A = tpu.vector_load_idx %arg8[%get3A_171] : memref<10240xf32, #tpu.memory_space<vmem>>[vector<16xi32>], vector<16xf32>,
      %while3A_178 = arith.constant true
      %while3A_179 = scf.while (%while3A_285 = %while3A_178) : (i1) -> i1 {
        scf.condition(%while3A_285) %while3A_285 : i1
      } do {
      ^bb0(%while3A_285: i1):
        %gather3A_286 = tpu.vector_load_idx %arg9[%get3A_177] : memref<10240xf32, #tpu.memory_space<vmem>>[vector<16xi32>], vector<16xf32>,
        %max3A = arith.maximumf %gather3A_286, %gather3A : vector<16xf32>
        %gt3A = arith.cmpf ogt, %gather3A, %gather3A_286 : vector<16xf32>
        tpu.vector_store_idx %arg9[%get3A_177], %max3A masked %gt3A : memref<10240xf32, #tpu.memory_space<vmem>>[vector<16xi32>], vector<16xf32>, vector<16xi1>
        %gather3A_287 = tpu.vector_load_idx %arg9[%get3A_177] : memref<10240xf32, #tpu.memory_space<vmem>>[vector<16xi32>], vector<16xf32>,
        %gt3A_288 = arith.cmpf ogt, %gather3A, %gather3A_287 : vector<16xf32>
        %reduce_or3A = arith.constant 1.000000e+00 : f32
        %reduce_or3A_289 = arith.constant 0.000000e+00 : f32
        %reduce_or3A_290 = vector.broadcast %reduce_or3A : f32 to vector<16xf32>
        %reduce_or3A_291 = vector.broadcast %reduce_or3A_289 : f32 to vector<16xf32>
        %reduce_or3A_292 = arith.select %gt3A_288, %reduce_or3A_290, %reduce_or3A_291 : vector<16xi1>, vector<16xf32>
        %reduce_or3A_293 = arith.constant true
        %reduce_or3A_294 = vector.broadcast %reduce_or3A_293 : i1 to vector<16xi1>
        %reduce_or3A_295 = tpu.scan <max>, %reduce_or3A_292 masked %reduce_or3A_294 : vector<16xf32>, vector<16xi1> -> vector<16xf32>
        %reduce_or3A_296 = vector.extract %reduce_or3A_295[15] : f32 from vector<16xf32>
        %reduce_or3A_297 = arith.constant 0.000000e+00 : f32
        %reduce_or3A_298 = arith.cmpf ogt, %reduce_or3A_296, %reduce_or3A_297 : f32
        scf.yield %reduce_or3A_298 : i1
      }
      %add3A_180 = arith.constant 16 : i32
      %add3A_181 = arith.addi %mul3A_165, %add3A_180 : i32
      %get3A_182 = arith.constant 0 : i32
      %get3A_183 = arith.index_cast %get3A_182 : i32 to index
      %get3A_184 = arith.index_cast %add3A_181 : i32 to index
      %get3A_185 = tpu.vector_load %arg10[%get3A_183, %get3A_184] {strides = array<i32>} : memref<2x10112xi32, #tpu.memory_space<vmem>>, vector<16xi32>,
      %add3A_186 = arith.constant 16 : i32
      %add3A_187 = arith.addi %mul3A_165, %add3A_186 : i32
      %get3A_188 = arith.constant 1 : i32
      %get3A_189 = arith.index_cast %get3A_188 : i32 to index
      %get3A_190 = arith.index_cast %add3A_187 : i32 to index
      %get3A_191 = tpu.vector_load %arg10[%get3A_189, %get3A_190] {strides = array<i32>} : memref<2x10112xi32, #tpu.memory_space<vmem>>, vector<16xi32>,
      %gather3A_192 = tpu.vector_load_idx %arg8[%get3A_185] : memref<10240xf32, #tpu.memory_space<vmem>>[vector<16xi32>], vector<16xf32>,
      %while3A_193 = arith.constant true
      %while3A_194 = scf.while (%while3A_285 = %while3A_193) : (i1) -> i1 {
        scf.condition(%while3A_285) %while3A_285 : i1
      } do {
      ^bb0(%while3A_285: i1):
        %gather3A_286 = tpu.vector_load_idx %arg9[%get3A_191] : memref<10240xf32, #tpu.memory_space<vmem>>[vector<16xi32>], vector<16xf32>,
        %max3A = arith.maximumf %gather3A_286, %gather3A_192 : vector<16xf32>
        %gt3A = arith.cmpf ogt, %gather3A_192, %gather3A_286 : vector<16xf32>
        tpu.vector_store_idx %arg9[%get3A_191], %max3A masked %gt3A : memref<10240xf32, #tpu.memory_space<vmem>>[vector<16xi32>], vector<16xf32>, vector<16xi1>
        %gather3A_287 = tpu.vector_load_idx %arg9[%get3A_191] : memref<10240xf32, #tpu.memory_space<vmem>>[vector<16xi32>], vector<16xf32>,
        %gt3A_288 = arith.cmpf ogt, %gather3A_192, %gather3A_287 : vector<16xf32>
        %reduce_or3A = arith.constant 1.000000e+00 : f32
        %reduce_or3A_289 = arith.constant 0.000000e+00 : f32
        %reduce_or3A_290 = vector.broadcast %reduce_or3A : f32 to vector<16xf32>
        %reduce_or3A_291 = vector.broadcast %reduce_or3A_289 : f32 to vector<16xf32>
        %reduce_or3A_292 = arith.select %gt3A_288, %reduce_or3A_290, %reduce_or3A_291 : vector<16xi1>, vector<16xf32>
        %reduce_or3A_293 = arith.constant true
        %reduce_or3A_294 = vector.broadcast %reduce_or3A_293 : i1 to vector<16xi1>
        %reduce_or3A_295 = tpu.scan <max>, %reduce_or3A_292 masked %reduce_or3A_294 : vector<16xf32>, vector<16xi1> -> vector<16xf32>
        %reduce_or3A_296 = vector.extract %reduce_or3A_295[15] : f32 from vector<16xf32>
        %reduce_or3A_297 = arith.constant 0.000000e+00 : f32
        %reduce_or3A_298 = arith.cmpf ogt, %reduce_or3A_296, %reduce_or3A_297 : f32
        scf.yield %reduce_or3A_298 : i1
      }
      %add3A_195 = arith.constant 32 : i32
      %add3A_196 = arith.addi %mul3A_165, %add3A_195 : i32
      %get3A_197 = arith.constant 0 : i32
      %get3A_198 = arith.index_cast %get3A_197 : i32 to index
      %get3A_199 = arith.index_cast %add3A_196 : i32 to index
      %get3A_200 = tpu.vector_load %arg10[%get3A_198, %get3A_199] {strides = array<i32>} : memref<2x10112xi32, #tpu.memory_space<vmem>>, vector<16xi32>,
      %add3A_201 = arith.constant 32 : i32
      %add3A_202 = arith.addi %mul3A_165, %add3A_201 : i32
      %get3A_203 = arith.constant 1 : i32
      %get3A_204 = arith.index_cast %get3A_203 : i32 to index
      %get3A_205 = arith.index_cast %add3A_202 : i32 to index
      %get3A_206 = tpu.vector_load %arg10[%get3A_204, %get3A_205] {strides = array<i32>} : memref<2x10112xi32, #tpu.memory_space<vmem>>, vector<16xi32>,
      %gather3A_207 = tpu.vector_load_idx %arg8[%get3A_200] : memref<10240xf32, #tpu.memory_space<vmem>>[vector<16xi32>], vector<16xf32>,
      %while3A_208 = arith.constant true
      %while3A_209 = scf.while (%while3A_285 = %while3A_208) : (i1) -> i1 {
        scf.condition(%while3A_285) %while3A_285 : i1
      } do {
      ^bb0(%while3A_285: i1):
        %gather3A_286 = tpu.vector_load_idx %arg9[%get3A_206] : memref<10240xf32, #tpu.memory_space<vmem>>[vector<16xi32>], vector<16xf32>,
        %max3A = arith.maximumf %gather3A_286, %gather3A_207 : vector<16xf32>
        %gt3A = arith.cmpf ogt, %gather3A_207, %gather3A_286 : vector<16xf32>
        tpu.vector_store_idx %arg9[%get3A_206], %max3A masked %gt3A : memref<10240xf32, #tpu.memory_space<vmem>>[vector<16xi32>], vector<16xf32>, vector<16xi1>
        %gather3A_287 = tpu.vector_load_idx %arg9[%get3A_206] : memref<10240xf32, #tpu.memory_space<vmem>>[vector<16xi32>], vector<16xf32>,
        %gt3A_288 = arith.cmpf ogt, %gather3A_207, %gather3A_287 : vector<16xf32>
        %reduce_or3A = arith.constant 1.000000e+00 : f32
        %reduce_or3A_289 = arith.constant 0.000000e+00 : f32
        %reduce_or3A_290 = vector.broadcast %reduce_or3A : f32 to vector<16xf32>
        %reduce_or3A_291 = vector.broadcast %reduce_or3A_289 : f32 to vector<16xf32>
        %reduce_or3A_292 = arith.select %gt3A_288, %reduce_or3A_290, %reduce_or3A_291 : vector<16xi1>, vector<16xf32>
        %reduce_or3A_293 = arith.constant true
        %reduce_or3A_294 = vector.broadcast %reduce_or3A_293 : i1 to vector<16xi1>
        %reduce_or3A_295 = tpu.scan <max>, %reduce_or3A_292 masked %reduce_or3A_294 : vector<16xf32>, vector<16xi1> -> vector<16xf32>
        %reduce_or3A_296 = vector.extract %reduce_or3A_295[15] : f32 from vector<16xf32>
        %reduce_or3A_297 = arith.constant 0.000000e+00 : f32
        %reduce_or3A_298 = arith.cmpf ogt, %reduce_or3A_296, %reduce_or3A_297 : f32
        scf.yield %reduce_or3A_298 : i1
      }
      %add3A_210 = arith.constant 48 : i32
      %add3A_211 = arith.addi %mul3A_165, %add3A_210 : i32
      %get3A_212 = arith.constant 0 : i32
      %get3A_213 = arith.index_cast %get3A_212 : i32 to index
      %get3A_214 = arith.index_cast %add3A_211 : i32 to index
      %get3A_215 = tpu.vector_load %arg10[%get3A_213, %get3A_214] {strides = array<i32>} : memref<2x10112xi32, #tpu.memory_space<vmem>>, vector<16xi32>,
      %add3A_216 = arith.constant 48 : i32
      %add3A_217 = arith.addi %mul3A_165, %add3A_216 : i32
      %get3A_218 = arith.constant 1 : i32
      %get3A_219 = arith.index_cast %get3A_218 : i32 to index
      %get3A_220 = arith.index_cast %add3A_217 : i32 to index
      %get3A_221 = tpu.vector_load %arg10[%get3A_219, %get3A_220] {strides = array<i32>} : memref<2x10112xi32, #tpu.memory_space<vmem>>, vector<16xi32>,
      %gather3A_222 = tpu.vector_load_idx %arg8[%get3A_215] : memref<10240xf32, #tpu.memory_space<vmem>>[vector<16xi32>], vector<16xf32>,
      %while3A_223 = arith.constant true
      %while3A_224 = scf.while (%while3A_285 = %while3A_223) : (i1) -> i1 {
        scf.condition(%while3A_285) %while3A_285 : i1
      } do {
      ^bb0(%while3A_285: i1):
        %gather3A_286 = tpu.vector_load_idx %arg9[%get3A_221] : memref<10240xf32, #tpu.memory_space<vmem>>[vector<16xi32>], vector<16xf32>,
        %max3A = arith.maximumf %gather3A_286, %gather3A_222 : vector<16xf32>
        %gt3A = arith.cmpf ogt, %gather3A_222, %gather3A_286 : vector<16xf32>
        tpu.vector_store_idx %arg9[%get3A_221], %max3A masked %gt3A : memref<10240xf32, #tpu.memory_space<vmem>>[vector<16xi32>], vector<16xf32>, vector<16xi1>
        %gather3A_287 = tpu.vector_load_idx %arg9[%get3A_221] : memref<10240xf32, #tpu.memory_space<vmem>>[vector<16xi32>], vector<16xf32>,
        %gt3A_288 = arith.cmpf ogt, %gather3A_222, %gather3A_287 : vector<16xf32>
        %reduce_or3A = arith.constant 1.000000e+00 : f32
        %reduce_or3A_289 = arith.constant 0.000000e+00 : f32
        %reduce_or3A_290 = vector.broadcast %reduce_or3A : f32 to vector<16xf32>
        %reduce_or3A_291 = vector.broadcast %reduce_or3A_289 : f32 to vector<16xf32>
        %reduce_or3A_292 = arith.select %gt3A_288, %reduce_or3A_290, %reduce_or3A_291 : vector<16xi1>, vector<16xf32>
        %reduce_or3A_293 = arith.constant true
        %reduce_or3A_294 = vector.broadcast %reduce_or3A_293 : i1 to vector<16xi1>
        %reduce_or3A_295 = tpu.scan <max>, %reduce_or3A_292 masked %reduce_or3A_294 : vector<16xf32>, vector<16xi1> -> vector<16xf32>
        %reduce_or3A_296 = vector.extract %reduce_or3A_295[15] : f32 from vector<16xf32>
        %reduce_or3A_297 = arith.constant 0.000000e+00 : f32
        %reduce_or3A_298 = arith.cmpf ogt, %reduce_or3A_296, %reduce_or3A_297 : f32
        scf.yield %reduce_or3A_298 : i1
      }
      %add3A_225 = arith.constant 64 : i32
      %add3A_226 = arith.addi %mul3A_165, %add3A_225 : i32
      %get3A_227 = arith.constant 0 : i32
      %get3A_228 = arith.index_cast %get3A_227 : i32 to index
      %get3A_229 = arith.index_cast %add3A_226 : i32 to index
      %get3A_230 = tpu.vector_load %arg10[%get3A_228, %get3A_229] {strides = array<i32>} : memref<2x10112xi32, #tpu.memory_space<vmem>>, vector<16xi32>,
      %add3A_231 = arith.constant 64 : i32
      %add3A_232 = arith.addi %mul3A_165, %add3A_231 : i32
      %get3A_233 = arith.constant 1 : i32
      %get3A_234 = arith.index_cast %get3A_233 : i32 to index
      %get3A_235 = arith.index_cast %add3A_232 : i32 to index
      %get3A_236 = tpu.vector_load %arg10[%get3A_234, %get3A_235] {strides = array<i32>} : memref<2x10112xi32, #tpu.memory_space<vmem>>, vector<16xi32>,
      %gather3A_237 = tpu.vector_load_idx %arg8[%get3A_230] : memref<10240xf32, #tpu.memory_space<vmem>>[vector<16xi32>], vector<16xf32>,
      %while3A_238 = arith.constant true
      %while3A_239 = scf.while (%while3A_285 = %while3A_238) : (i1) -> i1 {
        scf.condition(%while3A_285) %while3A_285 : i1
      } do {
      ^bb0(%while3A_285: i1):
        %gather3A_286 = tpu.vector_load_idx %arg9[%get3A_236] : memref<10240xf32, #tpu.memory_space<vmem>>[vector<16xi32>], vector<16xf32>,
        %max3A = arith.maximumf %gather3A_286, %gather3A_237 : vector<16xf32>
        %gt3A = arith.cmpf ogt, %gather3A_237, %gather3A_286 : vector<16xf32>
        tpu.vector_store_idx %arg9[%get3A_236], %max3A masked %gt3A : memref<10240xf32, #tpu.memory_space<vmem>>[vector<16xi32>], vector<16xf32>, vector<16xi1>
        %gather3A_287 = tpu.vector_load_idx %arg9[%get3A_236] : memref<10240xf32, #tpu.memory_space<vmem>>[vector<16xi32>], vector<16xf32>,
        %gt3A_288 = arith.cmpf ogt, %gather3A_237, %gather3A_287 : vector<16xf32>
        %reduce_or3A = arith.constant 1.000000e+00 : f32
        %reduce_or3A_289 = arith.constant 0.000000e+00 : f32
        %reduce_or3A_290 = vector.broadcast %reduce_or3A : f32 to vector<16xf32>
        %reduce_or3A_291 = vector.broadcast %reduce_or3A_289 : f32 to vector<16xf32>
        %reduce_or3A_292 = arith.select %gt3A_288, %reduce_or3A_290, %reduce_or3A_291 : vector<16xi1>, vector<16xf32>
        %reduce_or3A_293 = arith.constant true
        %reduce_or3A_294 = vector.broadcast %reduce_or3A_293 : i1 to vector<16xi1>
        %reduce_or3A_295 = tpu.scan <max>, %reduce_or3A_292 masked %reduce_or3A_294 : vector<16xf32>, vector<16xi1> -> vector<16xf32>
        %reduce_or3A_296 = vector.extract %reduce_or3A_295[15] : f32 from vector<16xf32>
        %reduce_or3A_297 = arith.constant 0.000000e+00 : f32
        %reduce_or3A_298 = arith.cmpf ogt, %reduce_or3A_296, %reduce_or3A_297 : f32
        scf.yield %reduce_or3A_298 : i1
      }
      %add3A_240 = arith.constant 80 : i32
      %add3A_241 = arith.addi %mul3A_165, %add3A_240 : i32
      %get3A_242 = arith.constant 0 : i32
      %get3A_243 = arith.index_cast %get3A_242 : i32 to index
      %get3A_244 = arith.index_cast %add3A_241 : i32 to index
      %get3A_245 = tpu.vector_load %arg10[%get3A_243, %get3A_244] {strides = array<i32>} : memref<2x10112xi32, #tpu.memory_space<vmem>>, vector<16xi32>,
      %add3A_246 = arith.constant 80 : i32
      %add3A_247 = arith.addi %mul3A_165, %add3A_246 : i32
      %get3A_248 = arith.constant 1 : i32
      %get3A_249 = arith.index_cast %get3A_248 : i32 to index
      %get3A_250 = arith.index_cast %add3A_247 : i32 to index
      %get3A_251 = tpu.vector_load %arg10[%get3A_249, %get3A_250] {strides = array<i32>} : memref<2x10112xi32, #tpu.memory_space<vmem>>, vector<16xi32>,
      %gather3A_252 = tpu.vector_load_idx %arg8[%get3A_245] : memref<10240xf32, #tpu.memory_space<vmem>>[vector<16xi32>], vector<16xf32>,
      %while3A_253 = arith.constant true
      %while3A_254 = scf.while (%while3A_285 = %while3A_253) : (i1) -> i1 {
        scf.condition(%while3A_285) %while3A_285 : i1
      } do {
      ^bb0(%while3A_285: i1):
        %gather3A_286 = tpu.vector_load_idx %arg9[%get3A_251] : memref<10240xf32, #tpu.memory_space<vmem>>[vector<16xi32>], vector<16xf32>,
        %max3A = arith.maximumf %gather3A_286, %gather3A_252 : vector<16xf32>
        %gt3A = arith.cmpf ogt, %gather3A_252, %gather3A_286 : vector<16xf32>
        tpu.vector_store_idx %arg9[%get3A_251], %max3A masked %gt3A : memref<10240xf32, #tpu.memory_space<vmem>>[vector<16xi32>], vector<16xf32>, vector<16xi1>
        %gather3A_287 = tpu.vector_load_idx %arg9[%get3A_251] : memref<10240xf32, #tpu.memory_space<vmem>>[vector<16xi32>], vector<16xf32>,
        %gt3A_288 = arith.cmpf ogt, %gather3A_252, %gather3A_287 : vector<16xf32>
        %reduce_or3A = arith.constant 1.000000e+00 : f32
        %reduce_or3A_289 = arith.constant 0.000000e+00 : f32
        %reduce_or3A_290 = vector.broadcast %reduce_or3A : f32 to vector<16xf32>
        %reduce_or3A_291 = vector.broadcast %reduce_or3A_289 : f32 to vector<16xf32>
        %reduce_or3A_292 = arith.select %gt3A_288, %reduce_or3A_290, %reduce_or3A_291 : vector<16xi1>, vector<16xf32>
        %reduce_or3A_293 = arith.constant true
        %reduce_or3A_294 = vector.broadcast %reduce_or3A_293 : i1 to vector<16xi1>
        %reduce_or3A_295 = tpu.scan <max>, %reduce_or3A_292 masked %reduce_or3A_294 : vector<16xf32>, vector<16xi1> -> vector<16xf32>
        %reduce_or3A_296 = vector.extract %reduce_or3A_295[15] : f32 from vector<16xf32>
        %reduce_or3A_297 = arith.constant 0.000000e+00 : f32
        %reduce_or3A_298 = arith.cmpf ogt, %reduce_or3A_296, %reduce_or3A_297 : f32
        scf.yield %reduce_or3A_298 : i1
      }
      %add3A_255 = arith.constant 96 : i32
      %add3A_256 = arith.addi %mul3A_165, %add3A_255 : i32
      %get3A_257 = arith.constant 0 : i32
      %get3A_258 = arith.index_cast %get3A_257 : i32 to index
      %get3A_259 = arith.index_cast %add3A_256 : i32 to index
      %get3A_260 = tpu.vector_load %arg10[%get3A_258, %get3A_259] {strides = array<i32>} : memref<2x10112xi32, #tpu.memory_space<vmem>>, vector<16xi32>,
      %add3A_261 = arith.constant 96 : i32
      %add3A_262 = arith.addi %mul3A_165, %add3A_261 : i32
      %get3A_263 = arith.constant 1 : i32
      %get3A_264 = arith.index_cast %get3A_263 : i32 to index
      %get3A_265 = arith.index_cast %add3A_262 : i32 to index
      %get3A_266 = tpu.vector_load %arg10[%get3A_264, %get3A_265] {strides = array<i32>} : memref<2x10112xi32, #tpu.memory_space<vmem>>, vector<16xi32>,
      %gather3A_267 = tpu.vector_load_idx %arg8[%get3A_260] : memref<10240xf32, #tpu.memory_space<vmem>>[vector<16xi32>], vector<16xf32>,
      %while3A_268 = arith.constant true
      %while3A_269 = scf.while (%while3A_285 = %while3A_268) : (i1) -> i1 {
        scf.condition(%while3A_285) %while3A_285 : i1
      } do {
      ^bb0(%while3A_285: i1):
        %gather3A_286 = tpu.vector_load_idx %arg9[%get3A_266] : memref<10240xf32, #tpu.memory_space<vmem>>[vector<16xi32>], vector<16xf32>,
        %max3A = arith.maximumf %gather3A_286, %gather3A_267 : vector<16xf32>
        %gt3A = arith.cmpf ogt, %gather3A_267, %gather3A_286 : vector<16xf32>
        tpu.vector_store_idx %arg9[%get3A_266], %max3A masked %gt3A : memref<10240xf32, #tpu.memory_space<vmem>>[vector<16xi32>], vector<16xf32>, vector<16xi1>
        %gather3A_287 = tpu.vector_load_idx %arg9[%get3A_266] : memref<10240xf32, #tpu.memory_space<vmem>>[vector<16xi32>], vector<16xf32>,
        %gt3A_288 = arith.cmpf ogt, %gather3A_267, %gather3A_287 : vector<16xf32>
        %reduce_or3A = arith.constant 1.000000e+00 : f32
        %reduce_or3A_289 = arith.constant 0.000000e+00 : f32
        %reduce_or3A_290 = vector.broadcast %reduce_or3A : f32 to vector<16xf32>
        %reduce_or3A_291 = vector.broadcast %reduce_or3A_289 : f32 to vector<16xf32>
        %reduce_or3A_292 = arith.select %gt3A_288, %reduce_or3A_290, %reduce_or3A_291 : vector<16xi1>, vector<16xf32>
        %reduce_or3A_293 = arith.constant true
        %reduce_or3A_294 = vector.broadcast %reduce_or3A_293 : i1 to vector<16xi1>
        %reduce_or3A_295 = tpu.scan <max>, %reduce_or3A_292 masked %reduce_or3A_294 : vector<16xf32>, vector<16xi1> -> vector<16xf32>
        %reduce_or3A_296 = vector.extract %reduce_or3A_295[15] : f32 from vector<16xf32>
        %reduce_or3A_297 = arith.constant 0.000000e+00 : f32
        %reduce_or3A_298 = arith.cmpf ogt, %reduce_or3A_296, %reduce_or3A_297 : f32
        scf.yield %reduce_or3A_298 : i1
      }
      %add3A_270 = arith.constant 112 : i32
      %add3A_271 = arith.addi %mul3A_165, %add3A_270 : i32
      %get3A_272 = arith.constant 0 : i32
      %get3A_273 = arith.index_cast %get3A_272 : i32 to index
      %get3A_274 = arith.index_cast %add3A_271 : i32 to index
      %get3A_275 = tpu.vector_load %arg10[%get3A_273, %get3A_274] {strides = array<i32>} : memref<2x10112xi32, #tpu.memory_space<vmem>>, vector<16xi32>,
      %add3A_276 = arith.constant 112 : i32
      %add3A_277 = arith.addi %mul3A_165, %add3A_276 : i32
      %get3A_278 = arith.constant 1 : i32
      %get3A_279 = arith.index_cast %get3A_278 : i32 to index
      %get3A_280 = arith.index_cast %add3A_277 : i32 to index
      %get3A_281 = tpu.vector_load %arg10[%get3A_279, %get3A_280] {strides = array<i32>} : memref<2x10112xi32, #tpu.memory_space<vmem>>, vector<16xi32>,
      %gather3A_282 = tpu.vector_load_idx %arg8[%get3A_275] : memref<10240xf32, #tpu.memory_space<vmem>>[vector<16xi32>], vector<16xf32>,
      %while3A_283 = arith.constant true
      %while3A_284 = scf.while (%while3A_285 = %while3A_283) : (i1) -> i1 {
        scf.condition(%while3A_285) %while3A_285 : i1
      } do {
      ^bb0(%while3A_285: i1):
        %gather3A_286 = tpu.vector_load_idx %arg9[%get3A_281] : memref<10240xf32, #tpu.memory_space<vmem>>[vector<16xi32>], vector<16xf32>,
        %max3A = arith.maximumf %gather3A_286, %gather3A_282 : vector<16xf32>
        %gt3A = arith.cmpf ogt, %gather3A_282, %gather3A_286 : vector<16xf32>
        tpu.vector_store_idx %arg9[%get3A_281], %max3A masked %gt3A : memref<10240xf32, #tpu.memory_space<vmem>>[vector<16xi32>], vector<16xf32>, vector<16xi1>
        %gather3A_287 = tpu.vector_load_idx %arg9[%get3A_281] : memref<10240xf32, #tpu.memory_space<vmem>>[vector<16xi32>], vector<16xf32>,
        %gt3A_288 = arith.cmpf ogt, %gather3A_282, %gather3A_287 : vector<16xf32>
        %reduce_or3A = arith.constant 1.000000e+00 : f32
        %reduce_or3A_289 = arith.constant 0.000000e+00 : f32
        %reduce_or3A_290 = vector.broadcast %reduce_or3A : f32 to vector<16xf32>
        %reduce_or3A_291 = vector.broadcast %reduce_or3A_289 : f32 to vector<16xf32>
        %reduce_or3A_292 = arith.select %gt3A_288, %reduce_or3A_290, %reduce_or3A_291 : vector<16xi1>, vector<16xf32>
        %reduce_or3A_293 = arith.constant true
        %reduce_or3A_294 = vector.broadcast %reduce_or3A_293 : i1 to vector<16xi1>
        %reduce_or3A_295 = tpu.scan <max>, %reduce_or3A_292 masked %reduce_or3A_294 : vector<16xf32>, vector<16xi1> -> vector<16xf32>
        %reduce_or3A_296 = vector.extract %reduce_or3A_295[15] : f32 from vector<16xf32>
        %reduce_or3A_297 = arith.constant 0.000000e+00 : f32
        %reduce_or3A_298 = arith.cmpf ogt, %reduce_or3A_296, %reduce_or3A_297 : f32
        scf.yield %reduce_or3A_298 : i1
      }
    }
    "tpu.region"() ({
      %run_scoped3A = tpu.sem_alloc : memref<!tpu.dma_semaphore, #tpu.memory_space<semaphore_mem>>
      %dma_start3A_162 = arith.constant 0 : i32
      %dma_start3A_163 = tpu.memref_slice %arg14[%arg1, %dma_start3A_162] : memref<16x10240xf32, #tpu.memory_space<vmem_shared>> -> memref<1x10240xf32, #tpu.memory_space<vmem_shared>>
      %dma_start3A_164 = tpu.memref_squeeze %dma_start3A_163 : memref<1x10240xf32, #tpu.memory_space<vmem_shared>> -> memref<10240xf32, #tpu.memory_space<vmem_shared>>
      %dma_start3A_165 = arith.constant 0 : i32
      %dma_start3A_166 = tpu.memref_slice %arg14[%arg1, %dma_start3A_165] : memref<16x10240xf32, #tpu.memory_space<vmem_shared>> -> memref<1x10240xf32, #tpu.memory_space<vmem_shared>>
      %dma_start3A_167 = tpu.memref_squeeze %dma_start3A_166 : memref<1x10240xf32, #tpu.memory_space<vmem_shared>> -> memref<10240xf32, #tpu.memory_space<vmem_shared>>
      tpu.enqueue_dma source(%arg9 : memref<10240xf32, #tpu.memory_space<vmem>>) target(%dma_start3A_167 : memref<10240xf32, #tpu.memory_space<vmem_shared>>) target_semaphore(%run_scoped3A : memref<!tpu.dma_semaphore, #tpu.memory_space<semaphore_mem>>)
      %dma_wait3A_168 = arith.constant 0 : i32
      %dma_wait3A_169 = tpu.memref_slice %arg14[%arg1, %dma_wait3A_168] : memref<16x10240xf32, #tpu.memory_space<vmem_shared>> -> memref<1x10240xf32, #tpu.memory_space<vmem_shared>>
      %dma_wait3A_170 = tpu.memref_squeeze %dma_wait3A_169 : memref<1x10240xf32, #tpu.memory_space<vmem_shared>> -> memref<10240xf32, #tpu.memory_space<vmem_shared>>
      %dma_wait3A_171 = arith.constant 0 : i32
      %dma_wait3A_172 = tpu.memref_slice %arg14[%arg1, %dma_wait3A_171] : memref<16x10240xf32, #tpu.memory_space<vmem_shared>> -> memref<1x10240xf32, #tpu.memory_space<vmem_shared>>
      %dma_wait3A_173 = tpu.memref_squeeze %dma_wait3A_172 : memref<1x10240xf32, #tpu.memory_space<vmem_shared>> -> memref<10240xf32, #tpu.memory_space<vmem_shared>>
      tpu.wait_dma2 semaphore(%run_scoped3A : memref<!tpu.dma_semaphore, #tpu.memory_space<semaphore_mem>>) src(%arg9 : memref<10240xf32, #tpu.memory_space<vmem>>) dst(%dma_wait3A_173 : memref<10240xf32, #tpu.memory_space<vmem_shared>>)
      tpu.yield
    }) : () -> ()
    %barrier3A_152 = arith.constant 0 : index
    tpu.barrier barrier_id(%barrier3A_152)
    %mul3A_153 = arith.constant 640 : i32
    %mul3A_154 = arith.muli %arg1, %mul3A_153 : i32
    "tpu.region"() ({
      %run_scoped3A = tpu.sem_alloc : memref<!tpu.dma_semaphore, #tpu.memory_space<semaphore_mem>>
      %dma_start3A_162 = arith.constant 0 : i32
      %dma_start3A_163 = tpu.memref_slice %arg14[%dma_start3A_162, %mul3A_154] : memref<16x10240xf32, #tpu.memory_space<vmem_shared>> -> memref<16x640xf32, #tpu.memory_space<vmem_shared>>
      %dma_start3A_164 = arith.constant 0 : i32
      %dma_start3A_165 = tpu.memref_slice %arg14[%dma_start3A_164, %mul3A_154] : memref<16x10240xf32, #tpu.memory_space<vmem_shared>> -> memref<16x640xf32, #tpu.memory_space<vmem_shared>>
      tpu.enqueue_dma source(%dma_start3A_165 : memref<16x640xf32, #tpu.memory_space<vmem_shared>>) target(%arg11 : memref<16x640xf32, #tpu.memory_space<vmem>>) target_semaphore(%run_scoped3A : memref<!tpu.dma_semaphore, #tpu.memory_space<semaphore_mem>>)
      %dma_wait3A_166 = arith.constant 0 : i32
      %dma_wait3A_167 = tpu.memref_slice %arg14[%dma_wait3A_166, %mul3A_154] : memref<16x10240xf32, #tpu.memory_space<vmem_shared>> -> memref<16x640xf32, #tpu.memory_space<vmem_shared>>
      %dma_wait3A_168 = arith.constant 0 : i32
      %dma_wait3A_169 = tpu.memref_slice %arg14[%dma_wait3A_168, %mul3A_154] : memref<16x10240xf32, #tpu.memory_space<vmem_shared>> -> memref<16x640xf32, #tpu.memory_space<vmem_shared>>
      tpu.wait_dma2 semaphore(%run_scoped3A : memref<!tpu.dma_semaphore, #tpu.memory_space<semaphore_mem>>) src(%dma_wait3A_169 : memref<16x640xf32, #tpu.memory_space<vmem_shared>>) dst(%arg11 : memref<16x640xf32, #tpu.memory_space<vmem>>)
      tpu.yield
    }) : () -> ()
    %scan3A = arith.constant 0 : i32
    %scan3A_155 = arith.constant 0 : i32
    %scan3A_156 = arith.constant 40 : i32
    %scan3A_157 = arith.addi %scan3A_155, %scan3A_156 : i32
    %scan3A_158 = arith.constant 1 : i32
    scf.for %scan3A_162 = %scan3A_155 to %scan3A_157 step %scan3A_158  : i32 {
      %mul3A_163 = arith.constant 16 : i32
      %mul3A_164 = arith.muli %scan3A_162, %mul3A_163 : i32
      %get3A = arith.constant 0 : i32
      %get3A_165 = arith.index_cast %get3A : i32 to index
      %get3A_166 = arith.index_cast %mul3A_164 : i32 to index
      %get3A_167 = tpu.vector_load %arg11[%get3A_165, %get3A_166] {strides = array<i32>} : memref<16x640xf32, #tpu.memory_space<vmem>>, vector<16xf32>,
      %mul3A_168 = arith.constant 16 : i32
      %mul3A_169 = arith.muli %scan3A_162, %mul3A_168 : i32
      %get3A_170 = arith.constant 1 : i32
      %get3A_171 = arith.index_cast %get3A_170 : i32 to index
      %get3A_172 = arith.index_cast %mul3A_169 : i32 to index
      %get3A_173 = tpu.vector_load %arg11[%get3A_171, %get3A_172] {strides = array<i32>} : memref<16x640xf32, #tpu.memory_space<vmem>>, vector<16xf32>,
      %max3A = arith.maximumf %get3A_167, %get3A_173 : vector<16xf32>
      %mul3A_174 = arith.constant 16 : i32
      %mul3A_175 = arith.muli %scan3A_162, %mul3A_174 : i32
      %get3A_176 = arith.constant 2 : i32
      %get3A_177 = arith.index_cast %get3A_176 : i32 to index
      %get3A_178 = arith.index_cast %mul3A_175 : i32 to index
      %get3A_179 = tpu.vector_load %arg11[%get3A_177, %get3A_178] {strides = array<i32>} : memref<16x640xf32, #tpu.memory_space<vmem>>, vector<16xf32>,
      %max3A_180 = arith.maximumf %max3A, %get3A_179 : vector<16xf32>
      %mul3A_181 = arith.constant 16 : i32
      %mul3A_182 = arith.muli %scan3A_162, %mul3A_181 : i32
      %get3A_183 = arith.constant 3 : i32
      %get3A_184 = arith.index_cast %get3A_183 : i32 to index
      %get3A_185 = arith.index_cast %mul3A_182 : i32 to index
      %get3A_186 = tpu.vector_load %arg11[%get3A_184, %get3A_185] {strides = array<i32>} : memref<16x640xf32, #tpu.memory_space<vmem>>, vector<16xf32>,
      %max3A_187 = arith.maximumf %max3A_180, %get3A_186 : vector<16xf32>
      %mul3A_188 = arith.constant 16 : i32
      %mul3A_189 = arith.muli %scan3A_162, %mul3A_188 : i32
      %get3A_190 = arith.constant 4 : i32
      %get3A_191 = arith.index_cast %get3A_190 : i32 to index
      %get3A_192 = arith.index_cast %mul3A_189 : i32 to index
      %get3A_193 = tpu.vector_load %arg11[%get3A_191, %get3A_192] {strides = array<i32>} : memref<16x640xf32, #tpu.memory_space<vmem>>, vector<16xf32>,
      %max3A_194 = arith.maximumf %max3A_187, %get3A_193 : vector<16xf32>
      %mul3A_195 = arith.constant 16 : i32
      %mul3A_196 = arith.muli %scan3A_162, %mul3A_195 : i32
      %get3A_197 = arith.constant 5 : i32
      %get3A_198 = arith.index_cast %get3A_197 : i32 to index
      %get3A_199 = arith.index_cast %mul3A_196 : i32 to index
      %get3A_200 = tpu.vector_load %arg11[%get3A_198, %get3A_199] {strides = array<i32>} : memref<16x640xf32, #tpu.memory_space<vmem>>, vector<16xf32>,
      %max3A_201 = arith.maximumf %max3A_194, %get3A_200 : vector<16xf32>
      %mul3A_202 = arith.constant 16 : i32
      %mul3A_203 = arith.muli %scan3A_162, %mul3A_202 : i32
      %get3A_204 = arith.constant 6 : i32
      %get3A_205 = arith.index_cast %get3A_204 : i32 to index
      %get3A_206 = arith.index_cast %mul3A_203 : i32 to index
      %get3A_207 = tpu.vector_load %arg11[%get3A_205, %get3A_206] {strides = array<i32>} : memref<16x640xf32, #tpu.memory_space<vmem>>, vector<16xf32>,
      %max3A_208 = arith.maximumf %max3A_201, %get3A_207 : vector<16xf32>
      %mul3A_209 = arith.constant 16 : i32
      %mul3A_210 = arith.muli %scan3A_162, %mul3A_209 : i32
      %get3A_211 = arith.constant 7 : i32
      %get3A_212 = arith.index_cast %get3A_211 : i32 to index
      %get3A_213 = arith.index_cast %mul3A_210 : i32 to index
      %get3A_214 = tpu.vector_load %arg11[%get3A_212, %get3A_213] {strides = array<i32>} : memref<16x640xf32, #tpu.memory_space<vmem>>, vector<16xf32>,
      %max3A_215 = arith.maximumf %max3A_208, %get3A_214 : vector<16xf32>
      %mul3A_216 = arith.constant 16 : i32
      %mul3A_217 = arith.muli %scan3A_162, %mul3A_216 : i32
      %get3A_218 = arith.constant 8 : i32
      %get3A_219 = arith.index_cast %get3A_218 : i32 to index
      %get3A_220 = arith.index_cast %mul3A_217 : i32 to index
      %get3A_221 = tpu.vector_load %arg11[%get3A_219, %get3A_220] {strides = array<i32>} : memref<16x640xf32, #tpu.memory_space<vmem>>, vector<16xf32>,
      %max3A_222 = arith.maximumf %max3A_215, %get3A_221 : vector<16xf32>
      %mul3A_223 = arith.constant 16 : i32
      %mul3A_224 = arith.muli %scan3A_162, %mul3A_223 : i32
      %get3A_225 = arith.constant 9 : i32
      %get3A_226 = arith.index_cast %get3A_225 : i32 to index
      %get3A_227 = arith.index_cast %mul3A_224 : i32 to index
      %get3A_228 = tpu.vector_load %arg11[%get3A_226, %get3A_227] {strides = array<i32>} : memref<16x640xf32, #tpu.memory_space<vmem>>, vector<16xf32>,
      %max3A_229 = arith.maximumf %max3A_222, %get3A_228 : vector<16xf32>
      %mul3A_230 = arith.constant 16 : i32
      %mul3A_231 = arith.muli %scan3A_162, %mul3A_230 : i32
      %get3A_232 = arith.constant 10 : i32
      %get3A_233 = arith.index_cast %get3A_232 : i32 to index
      %get3A_234 = arith.index_cast %mul3A_231 : i32 to index
      %get3A_235 = tpu.vector_load %arg11[%get3A_233, %get3A_234] {strides = array<i32>} : memref<16x640xf32, #tpu.memory_space<vmem>>, vector<16xf32>,
      %max3A_236 = arith.maximumf %max3A_229, %get3A_235 : vector<16xf32>
      %mul3A_237 = arith.constant 16 : i32
      %mul3A_238 = arith.muli %scan3A_162, %mul3A_237 : i32
      %get3A_239 = arith.constant 11 : i32
      %get3A_240 = arith.index_cast %get3A_239 : i32 to index
      %get3A_241 = arith.index_cast %mul3A_238 : i32 to index
      %get3A_242 = tpu.vector_load %arg11[%get3A_240, %get3A_241] {strides = array<i32>} : memref<16x640xf32, #tpu.memory_space<vmem>>, vector<16xf32>,
      %max3A_243 = arith.maximumf %max3A_236, %get3A_242 : vector<16xf32>
      %mul3A_244 = arith.constant 16 : i32
      %mul3A_245 = arith.muli %scan3A_162, %mul3A_244 : i32
      %get3A_246 = arith.constant 12 : i32
      %get3A_247 = arith.index_cast %get3A_246 : i32 to index
      %get3A_248 = arith.index_cast %mul3A_245 : i32 to index
      %get3A_249 = tpu.vector_load %arg11[%get3A_247, %get3A_248] {strides = array<i32>} : memref<16x640xf32, #tpu.memory_space<vmem>>, vector<16xf32>,
      %max3A_250 = arith.maximumf %max3A_243, %get3A_249 : vector<16xf32>
      %mul3A_251 = arith.constant 16 : i32
      %mul3A_252 = arith.muli %scan3A_162, %mul3A_251 : i32
      %get3A_253 = arith.constant 13 : i32
      %get3A_254 = arith.index_cast %get3A_253 : i32 to index
      %get3A_255 = arith.index_cast %mul3A_252 : i32 to index
      %get3A_256 = tpu.vector_load %arg11[%get3A_254, %get3A_255] {strides = array<i32>} : memref<16x640xf32, #tpu.memory_space<vmem>>, vector<16xf32>,
      %max3A_257 = arith.maximumf %max3A_250, %get3A_256 : vector<16xf32>
      %mul3A_258 = arith.constant 16 : i32
      %mul3A_259 = arith.muli %scan3A_162, %mul3A_258 : i32
      %get3A_260 = arith.constant 14 : i32
      %get3A_261 = arith.index_cast %get3A_260 : i32 to index
      %get3A_262 = arith.index_cast %mul3A_259 : i32 to index
      %get3A_263 = tpu.vector_load %arg11[%get3A_261, %get3A_262] {strides = array<i32>} : memref<16x640xf32, #tpu.memory_space<vmem>>, vector<16xf32>,
      %max3A_264 = arith.maximumf %max3A_257, %get3A_263 : vector<16xf32>
      %mul3A_265 = arith.constant 16 : i32
      %mul3A_266 = arith.muli %scan3A_162, %mul3A_265 : i32
      %get3A_267 = arith.constant 15 : i32
      %get3A_268 = arith.index_cast %get3A_267 : i32 to index
      %get3A_269 = arith.index_cast %mul3A_266 : i32 to index
      %get3A_270 = tpu.vector_load %arg11[%get3A_268, %get3A_269] {strides = array<i32>} : memref<16x640xf32, #tpu.memory_space<vmem>>, vector<16xf32>,
      %max3A_271 = arith.maximumf %max3A_264, %get3A_270 : vector<16xf32>
      %mul3A_272 = arith.constant 16 : i32
      %mul3A_273 = arith.muli %scan3A_162, %mul3A_272 : i32
      %swap3A = arith.index_cast %mul3A_273 : i32 to index
      %swap3A_274 = tpu.vector_load %arg12[%swap3A] {strides = array<i32>} : memref<640xf32, #tpu.memory_space<vmem>>, vector<16xf32>,
      tpu.vector_store %arg12[%swap3A], %max3A_271 {strides = array<i32>} : memref<640xf32, #tpu.memory_space<vmem>>, vector<16xf32>,
    }
    %scan3A_159 = arith.constant 40 : i32
    %mul3A_160 = arith.constant 640 : i32
    %mul3A_161 = arith.muli %arg1, %mul3A_160 : i32
    "tpu.region"() ({
      %run_scoped3A = tpu.sem_alloc : memref<!tpu.dma_semaphore, #tpu.memory_space<semaphore_mem>>
      %dma_start3A_162 = tpu.memref_slice %arg4[%arg0, %mul3A_161] : memref<2x10240xf32, #tpu.memory_space<hbm>> -> memref<1x640xf32, #tpu.memory_space<hbm>>
      %dma_start3A_163 = tpu.memref_squeeze %dma_start3A_162 : memref<1x640xf32, #tpu.memory_space<hbm>> -> memref<640xf32, #tpu.memory_space<hbm>>
      %dma_start3A_164 = tpu.memref_slice %arg4[%arg0, %mul3A_161] : memref<2x10240xf32, #tpu.memory_space<hbm>> -> memref<1x640xf32, #tpu.memory_space<hbm>>
      %dma_start3A_165 = tpu.memref_squeeze %dma_start3A_164 : memref<1x640xf32, #tpu.memory_space<hbm>> -> memref<640xf32, #tpu.memory_space<hbm>>
      tpu.enqueue_dma source(%arg12 : memref<640xf32, #tpu.memory_space<vmem>>) target(%dma_start3A_165 : memref<640xf32, #tpu.memory_space<hbm>>) target_semaphore(%run_scoped3A : memref<!tpu.dma_semaphore, #tpu.memory_space<semaphore_mem>>)
      %dma_wait3A_166 = tpu.memref_slice %arg4[%arg0, %mul3A_161] : memref<2x10240xf32, #tpu.memory_space<hbm>> -> memref<1x640xf32, #tpu.memory_space<hbm>>
      %dma_wait3A_167 = tpu.memref_squeeze %dma_wait3A_166 : memref<1x640xf32, #tpu.memory_space<hbm>> -> memref<640xf32, #tpu.memory_space<hbm>>
      %dma_wait3A_168 = tpu.memref_slice %arg4[%arg0, %mul3A_161] : memref<2x10240xf32, #tpu.memory_space<hbm>> -> memref<1x640xf32, #tpu.memory_space<hbm>>
      %dma_wait3A_169 = tpu.memref_squeeze %dma_wait3A_168 : memref<1x640xf32, #tpu.memory_space<hbm>> -> memref<640xf32, #tpu.memory_space<hbm>>
      tpu.wait_dma2 semaphore(%run_scoped3A : memref<!tpu.dma_semaphore, #tpu.memory_space<semaphore_mem>>) src(%arg12 : memref<640xf32, #tpu.memory_space<vmem>>) dst(%dma_wait3A_169 : memref<640xf32, #tpu.memory_space<hbm>>)
      tpu.yield
    }) : () -> ()
    return
  }
}

module attributes {stable_mosaic.version = 14 : i64} {
  func.func @_combine_body(%arg0: memref<2x10240xf32, #tpu.memory_space<vmem>>, %arg1: memref<10000xf32, #tpu.memory_space<vmem>>, %arg2: memref<1x2xf32, #tpu.memory_space<smem>>, %arg3: memref<10000xf32, #tpu.memory_space<vmem>>) attributes {dimension_semantics = [], scalar_prefetch = 0 : i64, scratch_operands = 0 : i64, tpu.core_type = #tpu.core_type<tc>} {
    %get3A = arith.constant 0 : index
    %get3A_0 = arith.constant 0 : index
    %get3A_1 = vector.load %arg0[%get3A, %get3A_0] : memref<2x10240xf32, #tpu.memory_space<vmem>>, vector<2x10240xf32>
    %reduce_max3A = arith.constant dense<0xFF800000> : vector<10240xf32>
    %reduce_max3A_2 = vector.multi_reduction <maximumf>, %get3A_1, %reduce_max3A [0] : vector<2x10240xf32> to vector<10240xf32>
    %slice3A = vector.extract_strided_slice %reduce_max3A_2 {offsets = [0], sizes = [10000], strides = [1]} : vector<10240xf32> to vector<10000xf32>
    %get3A_3 = arith.constant 0 : index
    %get3A_4 = vector.load %arg1[%get3A_3] : memref<10000xf32, #tpu.memory_space<vmem>>, vector<10000xf32>
    %get3A_5 = arith.constant 0 : index
    %get3A_6 = arith.constant 0 : index
    %get3A_7 = memref.load %arg2[%get3A_5, %get3A_6] : memref<1x2xf32, #tpu.memory_space<smem>>
    %mul3A = vector.broadcast %get3A_7 : f32 to vector<10000xf32>
    %mul3A_8 = arith.mulf %get3A_4, %mul3A : vector<10000xf32>
    %get3A_9 = arith.constant 0 : index
    %get3A_10 = arith.constant 1 : index
    %get3A_11 = memref.load %arg2[%get3A_9, %get3A_10] : memref<1x2xf32, #tpu.memory_space<smem>>
    %mul3A_12 = vector.broadcast %get3A_11 : f32 to vector<10000xf32>
    %mul3A_13 = arith.mulf %slice3A, %mul3A_12 : vector<10000xf32>
    %add3A = arith.addf %mul3A_8, %mul3A_13 : vector<10000xf32>
    %swap3A = arith.constant 0 : index
    %swap3A_14 = vector.load %arg3[%swap3A] : memref<10000xf32, #tpu.memory_space<vmem>>, vector<10000xf32>
    tpu.vector_store %arg3[%swap3A], %add3A {strides = array<i32>} : memref<10000xf32, #tpu.memory_space<vmem>>, vector<10000xf32>,
    return
  }
}

</mosaic_0001>

<sc_bundles>
// kernel: kernel.4.cloned.1.call-start
scs
__scs_entry_jumppad:
0x0: {  	(pc) =	sbr.rel $0x88, $3  }
0x1: {  	(tag) =	ssettag $0x0;
	lr =	simm.s32 $0x1  }
0x2: {  	[smem:$0x3F9E] =	sst lr;
	_ =	strace $0xD0000000  }
0x3: {  	_ = 	snop  }
0x4: {  	_ = 	snop  }
0x5: {  	_ = 	snop  }
0x6: {  	_ = 	snop  }
0x7: {  	_ = 	snop  }
__scs_overlays_trampoline_lowered:
0x8: {  	[smem:$0x3FAD] =	sst s0  }
0x9: {  	[smem:$0x3FAE] =	sst s1  }
0xa: {  	[smem:$0x3FAF] =	sst s2  }
0xb: {  	[smem:$0x3FB0] =	sst s3  }
0xc: {  	[smem:$0x3FB1] =	sst s4  }
0xd: {  	[smem:$0x3FB2] =	sst s5  }
0xe: {  	[smem:$0x3FB3] =	sst s6  }
0xf: {  	[smem:$0x3FB4] =	sst s7  }
0x10: {  	[smem:$0x3FB5] =	sst s8  }
0x11: {  	[smem:$0x3FB6] =	sst s9;
	s0 =	simm.s32 @!p0 $0x0  }
0x12: {  	s1 =	sld [smem:$0x3F9C];
	s0 =	simm.s32 @p0 $0x1  }
0x13: {  	[smem:$0x3FB7] =	sst s0;
	s0 =	simm.s32 @!p1 $0x0  }
0x14: {  	s2 =	sld [smem:$0x3F9B];
	s0 =	simm.s32 @p1 $0x1  }
0x15: {  	[smem:$0x3FB8] =	sst s0;
	s0 =	simm.s32 @!p2 $0x0  }
0x16: {  	s3 =	sld [smem:$0x3FDB];
	s0 =	simm.s32 @p2 $0x1  }
0x17: {  	s4 =	simm.s32 $0x1BF5;
	[smem:$0x3FBA] =	sst s0  }
0x18: {  	s0 =	sld [smem:$0x3F9D];
	_ =	swait.ge [sflag:s4], $0x0  }
0x19: {  	s7 =	sld [smem:$0x3F9E]  }
0x1a: {  	s8 =	sadd.s32 $0xFFFFE003, lr  }
0x1b: {  	s9 =	sadd.s32 $0xFFFFFEF7, lr;
	s5 =	simm.s32 $0xFFFFFFFF;
	p2 =	slt.u32 s8, $0xFFFFF086  }
0x1c: {  	p1 =	slt.u32 s9, $0xF7A;
	s5 =	simm.s32 @!p2 $0x0  }
0x1d: {  	s5 =	simm.s32 @p1 $0x1;
	p0 =	seq.s32 s7, s2  }
0x1e: {  	s7 =	smul.u32 @!p0 $0xF7A, s2;
	p2 =	seq.s32 @!p0 s5, $0x0  }
0x1f: {  	s9 =	smul.u32 $0xF7A, s1;
	s8 =	simm.s32 @!p0 $0x1BF5;
	p2 =	por !p2, p0  }
0x20: {  	[sflag:s8] =	ssyncset.s32 @!p0 $0xFFFFF086;
	s6 =	sadd.s32 @!p0 s3, s7;
	s7 =	simm.s32 @!p0 $0x108  }
0x21: {  	s3 =	sadd.s32 s3, s9;
	s6 =	sadd.s32 @!p0 $0x88, s6;
	s7 =	simm.s32 @p2 $0x1082  }
0x22: {  	[simem:s7], [sflag:s8] =	dma.local @!p0 [hbm:s6], $0xF7A  }
0x23: {  	s9 =	sor.u32 $0xD0000000, s2;
	s6 =	simm.s32 $0x108;
	_ =	swait.ge @!p0 [sflag:s8], $0x0  }
0x24: {  	s3 =	sadd.s32 $0x88, s3;
	s6 =	simm.s32 @!p1 $0x1082;
	[sflag:s4] =	ssyncset.s32 $0xFFFFF086  }
0x25: {  	[simem:s6], [sflag:s4] =	dma.local [hbm:s3], $0xF7A  }
0x26: {  	[smem:$0x3F9E] =	sst s1;
	(tag) =	ssettag s2;
	_ =	strace s9  }
0x27: {  	s1 =	sld [smem:$0x3FAE]  }
0x28: {  	s2 =	sld [smem:$0x3FAF]  }
0x29: {  	s4 =	sld [smem:$0x3FB1]  }
0x2a: {  	p0 =	seq.s32 s5, $0x0;
	s5 =	sld [smem:$0x3FB2]  }
0x2b: {  	s6 =	sld [smem:$0x3FB3]  }
0x2c: {  	s7 =	sld [smem:$0x3FB4]  }
0x2d: {  	s3 =	simm.s32 $0x108;
	s8 =	sld [smem:$0x3FB5]  }
0x2e: {  	s3 =	simm.s32 @!p0 $0x1082;
	s9 =	sld [smem:$0x3FB6]  }
0x2f: {  	lr =	sadd.s32 s0, s3;
	s0 =	sld [smem:$0x3FAD]  }
0x30: {  	s3 =	sld [smem:$0x3FB0]  }
0x31: {  	[smem:$0x3FB9] =	sst s10  }
0x32: {  	s10 =	sld [smem:$0x3FB7];
	_ =	sdelay $0x3  }
0x33: {  	p0 =	seq.s32 s10, $0x1;
	s10 =	sld [smem:$0x3FB9];
	_ =	sdelay $0x3  }
0x34: {  	[smem:$0x3FB9] =	sst s10  }
0x35: {  	s10 =	sld [smem:$0x3FB8];
	_ =	sdelay $0x3  }
0x36: {  	p1 =	seq.s32 s10, $0x1;
	s10 =	sld [smem:$0x3FB9];
	_ =	sdelay $0x3  }
0x37: {  	[smem:$0x3FB9] =	sst s10  }
0x38: {  	s10 =	sld [smem:$0x3FBA]  }
0x39: {  	_ = 	snop;
	(pc) =	sbr.ind lr, $3  }
0x3a: {  	_ = 	snop  }
0x3b: {  	_ = 	snop  }
0x3c: {  	p2 =	seq.s32 s10, $0x1;
	s10 =	sld [smem:$0x3FB9]  }
0x3d: {  	_ =	shalt  }
0x3e: {  	_ =	shalt  }
0x3f: {  	_ =	shalt  }
0x40: {  	_ =	shalt  }
0x41: {  	_ =	shalt  }
0x42: {  	_ =	shalt  }
0x43: {  	_ =	shalt  }
0x44: {  	_ =	shalt  }
0x45: {  	_ =	shalt  }
0x46: {  	_ =	shalt  }
0x47: {  	_ =	shalt  }
0x48: {  	_ =	shalt  }
0x49: {  	_ =	shalt  }
0x4a: {  	_ =	shalt  }
0x4b: {  	_ =	shalt  }
0x4c: {  	_ =	shalt  }
0x4d: {  	_ =	shalt  }
0x4e: {  	_ =	shalt  }
0x4f: {  	_ =	shalt  }
0x50: {  	_ =	shalt  }
0x51: {  	_ =	shalt  }
0x52: {  	_ =	shalt  }
0x53: {  	_ =	shalt  }
0x54: {  	_ =	shalt  }
0x55: {  	_ =	shalt  }
0x56: {  	_ =	shalt  }
0x57: {  	_ =	shalt  }
0x58: {  	_ =	shalt  }
0x59: {  	_ =	shalt  }
0x5a: {  	_ =	shalt  }
0x5b: {  	_ =	shalt  }
0x5c: {  	_ =	shalt  }
0x5d: {  	_ =	shalt  }
0x5e: {  	_ =	shalt  }
0x5f: {  	_ =	shalt  }
0x60: {  	_ =	shalt  }
0x61: {  	_ =	shalt  }
0x62: {  	_ =	shalt  }
0x63: {  	_ =	shalt  }
0x64: {  	_ =	shalt  }
0x65: {  	_ =	shalt  }
0x66: {  	_ =	shalt  }
0x67: {  	_ =	shalt  }
0x68: {  	_ =	shalt  }
0x69: {  	_ =	shalt  }
0x6a: {  	_ =	shalt  }
0x6b: {  	_ =	shalt  }
0x6c: {  	_ =	shalt  }
0x6d: {  	_ =	shalt  }
0x6e: {  	_ =	shalt  }
0x6f: {  	_ =	shalt  }
0x70: {  	_ =	shalt  }
0x71: {  	_ =	shalt  }
0x72: {  	_ =	shalt  }
0x73: {  	_ =	shalt  }
0x74: {  	_ =	shalt  }
0x75: {  	_ =	shalt  }
0x76: {  	_ =	shalt  }
0x77: {  	_ =	shalt  }
0x78: {  	_ =	shalt  }
0x79: {  	_ =	shalt  }
0x7a: {  	_ =	shalt  }
0x7b: {  	_ =	shalt  }
0x7c: {  	_ =	shalt  }
0x7d: {  	_ =	shalt  }
0x7e: {  	_ =	shalt  }
0x7f: {  	_ =	shalt  }
0x80: {  	_ =	shalt  }
0x81: {  	_ =	shalt  }
0x82: {  	_ =	shalt  }
0x83: {  	_ =	shalt  }
0x84: {  	_ =	shalt  }
0x85: {  	_ =	shalt  }
0x86: {  	_ =	shalt  }
0x87: {  	_ =	shalt  }
.Lfunc_end0:
.L_simem_size_0:
called_computation_lowered:
.L_overlay_start_0:
0x88: {  	s2 =	sld [smem:$0x3FD9]  }
0x89: {  	s3 =	sld [smem:$0x3FFE];
	_ =	sdelay $0x1  }
0x8a: {  	s1 =	srdreg.scid  }
0x8b: {  	s0 =	sand.u32 $0x1, s1  }
0x8c: {  	s17 =	sshll.u32 s0, $0xA;
	s2 =	sadd.s32 s3, s2  }
0x8d: {  	s2 =	sadd.s32 s2, s17  }
0x8e: {  	[smem:$0x3FC5] =	sst s2  }
0x8f: {  	_ = 	snop  }
0x90: {  	s2 =	sld [smem:$0x3FC9]  }
0x91: {  	s18 =	sld [smem:$0x3FC8];
	(tm) =	ssettm $0x1  }
0x92: {  	s4 =	sld [smem:$0x3FFB];
	_ =	sdelay $0x3  }
0x93: {  	_ =	strace s4  }
0x94: {  	s4 =	sld [smem:$0x3FFC];
	_ =	sdelay $0x3  }
0x95: {  	_ =	strace s4  }
0x96: {  	s4 =	sld [smem:$0x3FFD];
	_ =	sdelay $0x3  }
0x97: {  	_ =	strace s4  }
0x98: {  	_ =	strace $0x8FFFFFFF  }
0x99: {  	s19 =	sld [smem:$0x3FDB];
	_ =	sdelay $0x1  }
0x9a: {  	s5 =	simm.s32 $_scs_section_size  }
0x9b: {  	s6 =	simm.s32 $_size__tile_overlayer_lowered;
	s7 =	simm.s32 $_tile_overlayer_lowered  }
0x9c: {  	s22 =	simm.s32 $0x1BFF;
	s21 =	sshll.u32 s7, $0x1;
	s4 =	sadd.s32 s5, s19  }
0x9d: {  	s8 =	simm.s32 $0x0;
	s20 =	sshll.u32 s6, $0x1;
	s6 =	sadd.s32 s21, s4  }
0x9e: {  	[timem:s8], [sflag:s22] =	dma.local [hbm:s6], s20  }
0x9f: {  	_ =	swait.ge [sflag:s22], s20  }
0xa0: {  	s5 =	ssub.s32 $0x0, s20;
	[sflag:s22] =	ssyncset.done $0x0  }
0xa1: {  	[sflag:s22] =	ssyncadd.s32 s5;
	_ =	sdelay $0x1  }
0xa2: {  	s23 =	simm.s32 $0x1B8B  }
0xa3: {  	_ =	swait.ge [sflag:s23], $0x1  }
0xa4: {  	[sflag:s23] =	ssyncset.done $0x0  }
0xa5: {  	s25 =	simm.s32 $0x1B8E;
	s24 =	sld [smem:$0x3FFE];
	[sflag:s23] =	ssyncadd.s32 $0xFFFFFFFF  }
0xa6: {  	s26 =	simm.s32 $execute0_lowered;
	[smem:$0x3FD2] =	sst s25  }
0xa7: {  	s6 =	sshll.u32 s26, $0x1;
	_ =	strace $0x80000046;
	[dreg:$0x1] =	wrdreg $0xFFFFFFFF  }
0xa8: {  	s28 =	simm.s32 $_size_execute0_lowered;
	s4 =	sadd.s32 s4, s6;
	[dreg:$0x0] =	wrdreg $0x0  }
0xa9: {  	s6 =	sshll.u32 s28, $0x1;
	[dreg:$0x2] =	wrdreg s4  }
0xaa: {  	[dreg:$0x3] =	wrdreg s6  }
0xab: {  	[dreg:$0x4] =	wrdreg $0xC0  }
0xac: {  	_ =	task [dreg:s8], $0x5FFFF  }
0xad: {  	[dreg:$0x1] =	wrdreg $0xFFFFFFFF  }
0xae: {  	[dreg:$0x0] =	wrdreg $0x60  }
0xaf: {  	[dreg:$0x2] =	wrdreg s2  }
0xb0: {  	[dreg:$0x3] =	wrdreg s18  }
0xb1: {  	[dreg:$0x4] =	wrdreg s24  }
0xb2: {  	[dreg:$0x5] =	wrdreg $0x16C000  }
0xb3: {  	[dreg:$0x6] =	wrdreg $0x16E800  }
0xb4: {  	[dreg:$0x7] =	wrdreg $0x9  }
0xb5: {  	_ =	task.clear_ibuf [dreg:s8], $0x8FFFF;
	_ =	strace $0x90000046  }
0xb6: {  	s29 =	simm.s32 $0x9;
	_ =	strace $0x80000048  }
0xb7: {  	_ =	swait.ge [sflag:s29], $0x1  }
0xb8: {  	[sflag:s29] =	ssyncadd.s32 $0xFFFFFFFF  }
0xb9: {  	_ =	strace $0x90000048  }
0xba: {  	_ =	sfence  }
0xbb: {  	s30 =	sld [smem:$0x0];
	_ =	sdelay $0x2  }
0xbc: {  	s31 =	sshll.u32 s1, $0xD;
	s1 =	sshrl.u32 s1, $0x2  }
0xbd: {  	s3 =	sand.u32 $0x4000, s31;
	s1 =	sadd.s32 s1, s30  }
0xbe: {  	s0 =	sor.u32 s3, s0;
	s1 =	sshll.u32 s1, $0x11  }
0xbf: {  	s0 =	sor.u32 s1, s0  }
0xc0: {  	s0 =	sadd.s32 $0x8F2B, s0  }
0xc1: {  	[sflag:s0] =	ssyncadd.remote.s32 $0x1  }
0xc2: {  	_ =	sfence.sel $0xFFFF  }
0xc3: {  	[dreg:$0x0] =	wrdreg $0xFFFFFFFF;
	(pc) =	sbr.abs _section_cstart, $3  }
0xc4: {  	[dreg:$0x1] =	wrdreg $0xFFFFFFFF  }
0xc5: {  	_ =	task.clear_ibuf [dreg:s8], $0x2FFFF;
	_ =	strace $0x9FFFFFFF  }
0xc6: {  	(tm) =	ssettm $0x7FFFFFFF  }
0xc7: {  	_ =	shalt  }
tec
execute0_lowered:
.L_overlay_start_1:
0x0: {  	(tag) =	ssettag $0x1  }
0x1: {  	s0 =	rddreg [dreg:$0x0]  }
0x2: {  	s1 =	rddreg [dreg:$0x1]  }
0x3: {  	s4 =	rddreg [dreg:$0x2]  }
0x4: {  	s2 =	rddreg [dreg:$0x3]  }
0x5: {  	s12 =	rddreg [dreg:$0x4]  }
0x6: {  	s5 =	srdreg.scid;
	s11 =	stileid.u32;
	s3 =	simm.s32 $0x0  }
0x7: {  	s28 =	simm.s32 $0x14000;
	s29 =	simm.s32 $0x14180;
	s30 =	simm.s32 $0x100  }
0x8: {  	s31 =	simm.s32 $0x16980;
	s15 =	sand.u32 $0x1, s5;
	s17 =	smul.u32 $0x500, s11  }
0x9: {  	[smem:$0x7FF] =	sst s3;
	s18 =	smul.u32 $0x280, s11;
	s7 =	sshll.u32 s11, $0x1  }
0xa: {  	s23 =	sshrl.u32 s11, $0x3;
	s25 =	sshll.u32 s11, $0x7;
	s16 =	smul.u32 $0x5000, s11  }
0xb: {  	s6 =	sshll.u32 s15, $0x7;
	_ =	strace $0x80000047;
	s7 =	sor.u32 s15, s7  }
0xc: {  	s19 =	ssub.s32 $0x2, s15;
	s24 =	smul.u32 $0x50000, s23;
	p0 =	sne.s32 s15, $0x0  }
0xd: {  	s23 =	simm.s32 $0x1;
	s5 =	sor.u32 s6, s17;
	s9 =	smin.u32 s18, $0x2490  }
0xe: {  	s7 =	smul.u32 $0x2780, s7;
	s8 =	sshrl.u32 s19, $0x1;
	s26 =	sshrl.u32 s16, $0x2  }
0xf: {  	s16 =	simm.s32 $0x5000;
	s17 =	simm.s32 $0x2;
	s18 =	simm.s32 $0x3  }
0x10: {  	s5 =	sshrl.u32 s5, $0x3;
	s20 =	sshrl.u32 s9, $0x3;
	s14 =	ssub.s32 s19, s8  }
0x11: {  	s22 =	sshll.u32 s9, $0x4;
	s9 =	sadd.s32 s9, s2;
	s13 =	sadd.s32 s5, s4  }
0x12: {  	s10 =	sadd.s32 s20, s4;
	s21 =	smin.u32 s7, $0x4BA80;
	s5 =	sadd.s32 s0, s22  }
0x13: {  	s0 =	sshrl.u32 s24, $0x2;
	s14 =	smax.u32 s14, $0x1;
	s20 =	simm.s32 $0x4  }
0x14: {  	s22 =	simm.s32 $0xCA80;
	s24 =	simm.s32 $0x80;
	s4 =	sshrl.u32 s21, $0x2  }
0x15: {  	s6 =	sadd.s32 $0xA00, s5;
	s7 =	sadd.s32 $0x1400, s5;
	s8 =	sadd.s32 $0x1E00, s5  }
0x16: {  	s0 =	sadd.s32 s0, s12;
	s10 =	sadd.s32 $0x1800, s10;
	s12 =	sadd.s32 s26, s12  }
0x17: {  	s13 =	sadd.s32 $0xE00, s13;
	s4 =	sadd.s32 s1, s4;
	s1 =	sand.u32 $0x380, s25  }
0x18: {  	s26 =	simm.s32 $0x1400;
	s11 =	sadd.s32 s1, s0;
	s0 =	simm.s32 $0x0  }
.LBB2_1:
0x19: {  	s1 =	simm.s32 $0xF280  }
0x1a: {  	[tilespmem:s1], [sflag:$0x1] =	stream.linear.gather [hbm4b:s4+s3], $0x4F00, $0x38;
	[tilespmem:$0x19680] =	vst v63  }
0x1b: {  	_ = 	snop  }
0x1c: {  	[tilespmem:s3], [sflag:$0x2] =	stream.linear.gather [hbm4b:s5+s3], $0x5000, $0x38;
	[tilespmem:$0x19680] =	vst v63  }
0x1d: {  	_ = 	snop  }
0x1e: {  	[tilespmem:s16], [sflag:$0x3] =	stream.linear.gather [hbm4b:s6+s3], $0x5000, $0x38;
	[tilespmem:$0x19680] =	vst v63  }
0x1f: {  	_ =	swait.ge [sflag:s17], $0x5000  }
0x20: {  	[sflag:s17] =	ssyncset.done $0x0  }
0x21: {  	[sflag:s17] =	ssyncadd.s32 $0xFFFFB000  }
0x22: {  	[tilespmem:s3], [sflag:$0x2] =	stream.linear.gather [hbm4b:s7+s3], $0x5000, $0x38;
	[tilespmem:$0x19680] =	vst v63  }
0x23: {  	_ =	swait.ge [sflag:s18], $0x5000  }
0x24: {  	[sflag:s18] =	ssyncset.done $0x0  }
0x25: {  	[sflag:s18] =	ssyncadd.s32 $0xFFFFB000  }
0x26: {  	[tilespmem:s16], [sflag:$0x3] =	stream.linear.gather [hbm4b:s8+s3], $0x5000, $0x38;
	[tilespmem:$0x19680] =	vst v63  }
0x27: {  	_ =	swait.ge [sflag:s17], $0x5000  }
0x28: {  	[sflag:s17] =	ssyncset.done $0x0  }
0x29: {  	[sflag:s17] =	ssyncadd.s32 $0xFFFFB000  }
0x2a: {  	_ =	swait.ge [sflag:s18], $0x5000  }
0x2b: {  	[sflag:s18] =	ssyncset.done $0x0  }
0x2c: {  	s19 =	simm.s32 $0xA000;
	[sflag:s18] =	ssyncadd.s32 $0xFFFFB000  }
0x2d: {  	[spmem:s9] =	stream.linear.scatter [tilespmem:s19], [sflag:$0x4], $0x280, $0x38;
	[tilespmem:$0x19680] =	vst v63  }
0x2e: {  	_ =	swait.ge [sflag:s20], $0x280  }
0x2f: {  	[sflag:s20] =	ssyncset.done $0x0  }
0x30: {  	[sflag:s20] =	ssyncadd.s32 $0xFFFFFD80  }
0x31: {  	s21 =	simm.s32 $0xA280;
	[bflag:$0x0] =	sbarrier.arrive $0xFFFF  }
0x32: {  	[tilespmem:s21], [sflag:$0x4] =	stream.linear.gather [spmem:s2], $0x2800, $0x38;
	[tilespmem:$0x19680] =	vst v63  }
0x33: {  	_ =	swait.ge [sflag:s20], $0x2800  }
0x34: {  	[sflag:s20] =	ssyncset.done $0x0  }
0x35: {  	[sflag:s20] =	ssyncadd.s32 $0xFFFFD800  }
0x36: {  	[tilespmem:s22], [sflag:$0x4] =	stream.linear.gather [spmem:s2], $0x2800, $0x38;
	[tilespmem:$0x19680] =	vst v63  }
0x37: {  	_ =	swait.ge [sflag:s20], $0x2800  }
0x38: {  	[sflag:s20] =	ssyncset.done $0x0  }
0x39: {  	s15 =	simm.s32 @!p0 $0xA000;
	s1 =	simm.s32 @!p0 $0x0;
	[sflag:s20] =	ssyncadd.s32 $0xFFFFD800  }
0x3a: {  	[hbm4b:s10+s1] =	stream.linear.scatter @!p0 [tilespmem:s15], [sflag:$0x4], $0x280, $0x38;
	[tilespmem:$0x19680] =	vst v63  }
0x3b: {  	s1 =	simm.s32 @!p0 $0x4  }
0x3c: {  	_ =	swait.ge @!p0 [sflag:s1], $0x280  }
0x3d: {  	[sflag:s1] =	ssyncset.done @!p0 $0x0  }
0x3e: {  	[sflag:s1] =	ssyncadd.s32 @!p0 $0xFFFFFD80  }
0x3f: {  	_ =	swait.ge [sflag:s23], $0x4F00  }
0x40: {  	[sflag:s23] =	ssyncset.done $0x0  }
0x41: {  	s25 =	simm.s32 $0x400;
	[sflag:s23] =	ssyncadd.s32 $0xFFFFB100  }
0x42: {  	[spmem:s11] =	stream.strided.scatter [tilespmem:s22], [sflag:$0x4], $0x2800, s25, s24, $0x38;
	[tilespmem:$0x19680] =	vst v63  }
0x43: {  	_ =	swait.ge [sflag:s20], $0x2800  }
0x44: {  	[sflag:s20] =	ssyncset.done $0x0  }
0x45: {  	[sflag:s20] =	ssyncadd.s32 $0xFFFFD800  }
0x46: {  	[bflag:$0x0] =	sbarrier.arrive $0xFFFF  }
0x47: {  	[tilespmem:s29], [sflag:$0x4] =	stream.strided.gather [spmem:s12], $0x2800, s28, s26, $0x38;
	[tilespmem:$0x19680] =	vst v63  }
0x48: {  	_ =	swait.ge [sflag:s20], $0x2800  }
0x49: {  	s19 =	sand.u32 $0x1C00, s3;
	s15 =	sand.u32 $0x70, s3;
	[sflag:s20] =	ssyncset.done $0x0  }
0x4a: {  	s1 =	sor.u32 s15, s19;
	[sflag:s20] =	ssyncadd.s32 $0xFFFFD800  }
0x4b: {  	v0 =	vld [tilespmem:s1+$0x14200]  }
0x4c: {  	v1 =	vld [tilespmem:s1+$0x14180]  }
0x4d: {  	v2 =	vld [tilespmem:s1+$0x14280]  }
0x4e: {  	v3 =	vld [tilespmem:s1+$0x14300]  }
0x4f: {  	v4 =	vld [tilespmem:s1+$0x14380]  }
0x50: {  	v5 =	vld [tilespmem:s1+$0x14400]  }
0x51: {  	v54 =	vld [tilespmem:s1+$0x14480];
	v0 =	vmax.f32 v1, v0  }
0x52: {  	v55 =	vld [tilespmem:s1+$0x14500];
	v0 =	vmax.f32 v0, v2  }
0x53: {  	v56 =	vld [tilespmem:s1+$0x15580];
	v0 =	vmax.f32 v0, v3  }
0x54: {  	v57 =	vld [tilespmem:s1+$0x15600];
	v0 =	vmax.f32 v0, v4  }
0x55: {  	v58 =	vld [tilespmem:s1+$0x15680];
	v0 =	vmax.f32 v0, v5  }
0x56: {  	v59 =	vld [tilespmem:s1+$0x15700];
	v0 =	vmax.f32 v0, v54  }
0x57: {  	v60 =	vld [tilespmem:s1+$0x15780];
	v0 =	vmax.f32 v0, v55  }
0x58: {  	v61 =	vld [tilespmem:s1+$0x15800];
	v0 =	vmax.f32 v0, v56  }
0x59: {  	v62 =	vld [tilespmem:s1+$0x15880];
	v0 =	vmax.f32 v0, v57  }
0x5a: {  	v63 =	vld [tilespmem:s1+$0x15900];
	v0 =	vmax.f32 v0, v58  }
0x5b: {  	v0 =	vmax.f32 v0, v59  }
0x5c: {  	v0 =	vmax.f32 v0, v60  }
0x5d: {  	v0 =	vmax.f32 v0, v61  }
0x5e: {  	s21 =	simm.s32 $0x10;
	s19 =	simm.s32 $0x80;
	v0 =	vmax.f32 v0, v62  }
0x5f: {  	s25 =	sand.u32 $0x1C00, s19;
	s1 =	sand.u32 $0x70, s21;
	v0 =	vmax.f32 v0, v63  }
0x60: {  	s21 =	simm.s32 $0x20;
	s15 =	sor.u32 s1, s25;
	s1 =	simm.s32 $0x16980;
	[tilespmem:s31+$0x0] =	vst v0  }
.LBB2_2:
0x61: {  	p1 =	sne.s32 s21, $0x270;
	v0 =	vld [tilespmem:s15+$0x14200]  }
0x62: {  	v1 =	vld [tilespmem:s15+$0x14180]  }
0x63: {  	v2 =	vld [tilespmem:s15+$0x14280]  }
0x64: {  	v3 =	vld [tilespmem:s15+$0x14300]  }
0x65: {  	v4 =	vld [tilespmem:s15+$0x14380]  }
0x66: {  	v5 =	vld [tilespmem:s15+$0x14400]  }
0x67: {  	v0 =	vmax.f32 v1, v0;
	v1 =	vld [tilespmem:s15+$0x14480]  }
0x68: {  	v0 =	vmax.f32 v0, v2;
	v2 =	vld [tilespmem:s15+$0x14500]  }
0x69: {  	v0 =	vmax.f32 v0, v3;
	v3 =	vld [tilespmem:s15+$0x15580]  }
0x6a: {  	v0 =	vmax.f32 v0, v4;
	v4 =	vld [tilespmem:s15+$0x15600]  }
0x6b: {  	v0 =	vmax.f32 v0, v5;
	v5 =	vld [tilespmem:s15+$0x15680]  }
0x6c: {  	v0 =	vmax.f32 v0, v1;
	v1 =	vld [tilespmem:s15+$0x15700]  }
0x6d: {  	v0 =	vmax.f32 v0, v2;
	v2 =	vld [tilespmem:s15+$0x15780]  }
0x6e: {  	v0 =	vmax.f32 v0, v3;
	v3 =	vld [tilespmem:s15+$0x15800]  }
0x6f: {  	v0 =	vmax.f32 v0, v4;
	v4 =	vld [tilespmem:s15+$0x15880]  }
0x70: {  	v0 =	vmax.f32 v0, v5;
	v5 =	vld [tilespmem:s15+$0x15900]  }
0x71: {  	v0 =	vmax.f32 v0, v1  }
.Ltmp0:
0x72: {  	v0 =	vmax.f32 v0, v2;
	(pc) =	sbr.rel @p1 .LBB2_2-.Ltmp0, $4  }
0x73: {  	v0 =	vmax.f32 v0, v3  }
0x74: {  	s19 =	sadd.s32 $0x80, s19;
	v0 =	vmax.f32 v0, v4  }
0x75: {  	s1 =	sadd.s32 $0x10, s1;
	s25 =	sand.u32 $0x1C00, s19;
	s15 =	sand.u32 $0x70, s21;
	v0 =	vmax.f32 v0, v5  }
0x76: {  	s21 =	sadd.s32 $0x10, s21;
	s15 =	sor.u32 s15, s25;
	[tilespmem:s1+$0x0] =	vst v0  }
0x77: {  	v0 =	vld [tilespmem:s15+$0x14200]  }
0x78: {  	v1 =	vld [tilespmem:s15+$0x14180]  }
0x79: {  	v2 =	vld [tilespmem:s15+$0x14280]  }
0x7a: {  	v3 =	vld [tilespmem:s15+$0x14300]  }
0x7b: {  	v4 =	vld [tilespmem:s15+$0x14380]  }
0x7c: {  	v5 =	vld [tilespmem:s15+$0x14400]  }
0x7d: {  	v54 =	vld [tilespmem:s15+$0x14480];
	v0 =	vmax.f32 v1, v0  }
0x7e: {  	v55 =	vld [tilespmem:s15+$0x14500];
	v0 =	vmax.f32 v0, v2  }
0x7f: {  	v56 =	vld [tilespmem:s15+$0x15580];
	v0 =	vmax.f32 v0, v3  }
0x80: {  	v57 =	vld [tilespmem:s15+$0x15600];
	v0 =	vmax.f32 v0, v4  }
0x81: {  	v58 =	vld [tilespmem:s15+$0x15680];
	v0 =	vmax.f32 v0, v5  }
0x82: {  	v59 =	vld [tilespmem:s15+$0x15700];
	v0 =	vmax.f32 v0, v54  }
0x83: {  	v60 =	vld [tilespmem:s15+$0x15780];
	v0 =	vmax.f32 v0, v55  }
0x84: {  	v61 =	vld [tilespmem:s15+$0x15800];
	v0 =	vmax.f32 v0, v56  }
0x85: {  	v62 =	vld [tilespmem:s15+$0x15880];
	v0 =	vmax.f32 v0, v57  }
0x86: {  	v63 =	vld [tilespmem:s15+$0x15900];
	v0 =	vmax.f32 v0, v58  }
0x87: {  	v0 =	vmax.f32 v0, v59  }
0x88: {  	v0 =	vmax.f32 v0, v60  }
0x89: {  	v0 =	vmax.f32 v0, v61  }
0x8a: {  	s0 =	sadd.s32 $0x1, s0;
	v0 =	vmax.f32 v0, v62  }
0x8b: {  	s1 =	sadd.s32 $0x10, s1;
	p1 =	sne.s32 s0, s14;
	v0 =	vmax.f32 v0, v63  }
.Ltmp1:
0x8c: {  	[tilespmem:s1+$0x0] =	vst v0;
	(pc) =	sbr.rel @p1 .LBB2_1-.Ltmp1, $4  }
0x8d: {  	[hbm4b:s13+s24] =	stream.strided.scatter [tilespmem:s31], [sflag:$0x4], $0x280, s30, s24, $0x38;
	[tilespmem:$0x19680] =	vst v63  }
0x8e: {  	_ =	swait.ge [sflag:s20], $0x280  }
0x8f: {  	[sflag:s20] =	ssyncset.done $0x0  }
0x90: {  	[sflag:s20] =	ssyncadd.s32 $0xFFFFFD80  }
0x91: {  	_ =	sfence.sel $0x180000  }
0x92: {  	[bflag:$0x0] =	sbarrier.arrive $0xFFFF  }
0x93: {  	_ =	strace $0x90000047  }
0x94: {  	s0 =	stileid.u32;
	[bflag:$0x2] =	sbarrier.arrive $0xFFFF  }
0x95: {  	p0 =	sne.s32 s0, $0x0;
	s0 =	rddreg [dreg:$0x5]  }
0x96: {  	s0 =	sadd.s32 @!p0 $0x100000, s0  }
0x97: {  	[sflag:s0] =	ssyncadd.tile.s32 @!p0 $0x1;
	_ =	shalt  }
.Lfunc_end2:
_tile_overlayer_lowered:
.L_overlay_start_2:
0x98: {  	(tag) =	ssettag $0x2  }
0x99: {  	s0 =	rddreg [dreg:$0x0];
	s2 =	stileid.u32  }
0x9a: {  	s1 =	rddreg [dreg:$0x1];
	p0 =	sne.s32 s2, $0x0  }
0x9b: {  	s3 =	rddreg [dreg:$0x2];
	[bflag:$0x3] =	sbarrier.arrive $0xFFFF;
	s2 =	simm.s32 @!p0 $0x1C04  }
0x9c: {  	[timem:s3], [sflag:s2] =	dma.local @!p0 [hbm:s0], s1  }
0x9d: {  	s0 =	simm.s32 @!p0 $0x4  }
0x9e: {  	_ =	swait.ge @!p0 [sflag:s0], s1  }
0x9f: {  	s1 =	ssub.s32 @!p0 $0x0, s1;
	[sflag:s0] =	ssyncset.done @!p0 $0x0  }
0xa0: {  	[sflag:s0] =	ssyncadd.s32 @!p0 s1  }
0xa1: {  	[bflag:$0x3] =	sbarrier.arrive $0xFFFF  }
0xa2: {  	_ =	shalt  }

</sc_bundles>
